<compile_context>
chip_gen: v7x
topology: tpu7x:2x2x1
jax: 0.10.2.dev20260603
libtpu: 0.0.44.dev20260713+nightly
codegen_flags: <defaults>
</compile_context>

<pallas_src>
import functools

import jax
import jax.numpy as jnp
from jax import lax
from jax.experimental import pallas as pl
from jax.experimental.pallas import tpu as pltpu
from jax.experimental.pallas import tpu_sc as plsc

N = 10000
E = 320000
D = 128
G = 64
C = 10

NW = 32
TILES = 16
CHUNK = 128
CHUNKS_PER_TILE = 79
E_PAD = CHUNKS_PER_TILE * NW * CHUNK
N_PAD = 10112
RPT = N_PAD // TILES
DUMMY = N + 8

RB = 2000
NB = N // RB


@functools.cache
def _make_agg():
    mesh = plsc.VectorSubcoreMesh(core_axis_name="c", subcore_axis_name="s",
                                  num_cores=2, num_subcores=TILES)

    @functools.partial(
        pl.kernel,
        out_type=jax.ShapeDtypeStruct((2 * N_PAD, D), jnp.float32),
        mesh=mesh,
        scratch_types=[
            pltpu.VMEM((CHUNK,), jnp.int32),
            pltpu.VMEM((CHUNK,), jnp.int32),
            pltpu.VMEM((CHUNK, D), jnp.float32),
            pltpu.VMEM_SHARED((N_PAD, D), jnp.float32),
            pltpu.SemaphoreType.DMA,
        ],
    )
    def agg(h_hbm, src_hbm, dst_hbm, zeros_hbm, out_hbm,
            src_v0, dst_v0, rows0, acc_sh, sg0):
        c = lax.axis_index("c")
        s = lax.axis_index("s")
        wid = c * TILES + s
        base0 = wid * (CHUNKS_PER_TILE * CHUNK)

        pltpu.sync_copy(zeros_hbm, acc_sh.at[pl.ds(s * RPT, RPT)])
        plsc.subcore_barrier()

        def body(i, carry):
            base = base0 + i * CHUNK
            pltpu.sync_copy(src_hbm.at[pl.ds(base, CHUNK)], src_v0)
            d0 = pltpu.async_copy(h_hbm.at[src_v0], rows0, sg0)
            pltpu.sync_copy(dst_hbm.at[pl.ds(base, CHUNK)], dst_v0)
            d0.wait()
            pltpu.sync_copy(rows0, acc_sh.at[dst_v0], add=True)
            return carry

        lax.fori_loop(0, CHUNKS_PER_TILE, body, 0)
        plsc.subcore_barrier()

        pltpu.sync_copy(acc_sh.at[pl.ds(s * RPT, RPT)],
                        out_hbm.at[pl.ds(c * N_PAD + s * RPT, RPT)])

    return agg


def _dense_a_body(p0_ref, p1_ref, h_ref, wr_ref, wo_ref, br_ref,
                  y_ref, stats_ref):
    i = pl.program_id(0)
    p = p0_ref[0] + p1_ref[0]
    h = h_ref[...]
    y = jnp.dot(p, wr_ref[...], preferred_element_type=jnp.float32)
    y = y + jnp.dot(h, wo_ref[...], preferred_element_type=jnp.float32)
    y = y + br_ref[...]
    y_ref[...] = y

    @pl.when(i == 0)
    def _():
        stats_ref[...] = jnp.zeros_like(stats_ref)

    stats_ref[0:1, :] += jnp.sum(y, axis=0, keepdims=True)
    stats_ref[1:2, :] += jnp.sum(y * y, axis=0, keepdims=True)


_dense_a = pl.pallas_call(
    _dense_a_body,
    grid=(NB,),
    in_specs=[
        pl.BlockSpec((1, RB, D), lambda i: (0, i, 0)),
        pl.BlockSpec((1, RB, D), lambda i: (1, i, 0)),
        pl.BlockSpec((RB, D), lambda i: (i, 0)),
        pl.BlockSpec((D, D), lambda i: (0, 0)),
        pl.BlockSpec((D, D), lambda i: (0, 0)),
        pl.BlockSpec((1, D), lambda i: (0, 0)),
    ],
    out_specs=[
        pl.BlockSpec((RB, D), lambda i: (i, 0)),
        pl.BlockSpec((2, D), lambda i: (0, 0)),
    ],
    out_shape=[
        jax.ShapeDtypeStruct((N, D), jnp.float32),
        jax.ShapeDtypeStruct((2, D), jnp.float32),
    ],
)


def _dense_b_body(y_ref, stats_ref, g_ref, b_ref, o_ref):
    mean = stats_ref[0:1, :] / N
    var = stats_ref[1:2, :] / N - mean * mean
    inv = lax.rsqrt(var + 1e-5)
    o_ref[...] = jnp.maximum(
        (y_ref[...] - mean) * inv * g_ref[...] + b_ref[...], 0.0)


_dense_b = pl.pallas_call(
    _dense_b_body,
    grid=(NB,),
    in_specs=[
        pl.BlockSpec((RB, D), lambda i: (i, 0)),
        pl.BlockSpec((2, D), lambda i: (0, 0)),
        pl.BlockSpec((1, D), lambda i: (0, 0)),
        pl.BlockSpec((1, D), lambda i: (0, 0)),
    ],
    out_specs=pl.BlockSpec((RB, D), lambda i: (i, 0)),
    out_shape=jax.ShapeDtypeStruct((N, D), jnp.float32),
)


def _pool_body(h_ref, batch_ref, wc_ref, bc_ref, o_ref,
               acc_ref, cnt_ref):
    i = pl.program_id(0)

    @pl.when(i == 0)
    def _():
        acc_ref[...] = jnp.zeros_like(acc_ref)
        cnt_ref[...] = jnp.zeros_like(cnt_ref)

    b = batch_ref[0]
    h = h_ref[...]
    gids = lax.broadcasted_iota(jnp.int32, (G, RB), 0)
    oh = (gids == b).astype(jnp.float32)
    acc_ref[...] += jnp.dot(oh, h, preferred_element_type=jnp.float32)
    cnt_ref[...] += jnp.sum(oh, axis=1, keepdims=True)

    @pl.when(i == NB - 1)
    def _():
        pooled = acc_ref[...] / jnp.clip(cnt_ref[...], 1.0, None)
        o_ref[...] = (jnp.dot(pooled, wc_ref[...],
                              preferred_element_type=jnp.float32)
                      + bc_ref[...])


_pool = pl.pallas_call(
    _pool_body,
    grid=(NB,),
    in_specs=[
        pl.BlockSpec((RB, D), lambda i: (i, 0)),
        pl.BlockSpec((1, 1, RB), lambda i: (i, 0, 0)),
        pl.BlockSpec((D, D), lambda i: (0, 0)),
        pl.BlockSpec((1, D), lambda i: (0, 0)),
    ],
    out_specs=pl.BlockSpec((G, D), lambda i: (0, 0)),
    out_shape=jax.ShapeDtypeStruct((G, D), jnp.float32),
    scratch_shapes=[
        pltpu.VMEM((G, D), jnp.float32),
        pltpu.VMEM((G, 1), jnp.float32),
    ],
)


def kernel(x, edge_index, batch,
           W_rel0, b_rel0, W_root0, gamma0, beta0,
           W_rel1, b_rel1, W_root1, gamma1, beta1,
           W_rel2, b_rel2, W_root2, gamma2, beta2,
           W_cls, b_cls):
    pad = E_PAD - E
    src = jnp.concatenate([edge_index[0], jnp.zeros((pad,), jnp.int32)])
    dst = jnp.concatenate([edge_index[1], jnp.full((pad,), DUMMY, jnp.int32)])
    zeros = jnp.zeros((RPT, D), jnp.float32)
    batch3 = batch.reshape(NB, 1, RB)

    layers = [
        (W_rel0, b_rel0, W_root0, gamma0, beta0),
        (W_rel1, b_rel1, W_root1, gamma1, beta1),
        (W_rel2, b_rel2, W_root2, gamma2, beta2),
    ]
    agg_fn = _make_agg()
    h = x
    for (Wr, br, Wo, g, b) in layers:
        parts = agg_fn(h, src, dst, zeros).reshape(2, N_PAD, D)
        y, stats = _dense_a(parts, parts, h, Wr, Wo, br.reshape(1, D))
        h = _dense_b(y, stats, g.reshape(1, D), b.reshape(1, D))

    wc = jnp.zeros((D, D), jnp.float32).at[:, :C].set(W_cls)
    bc = jnp.zeros((1, D), jnp.float32).at[0, :C].set(b_cls)
    out = _pool(h, batch3, wc, bc)
    return out[:, :C]

# --- scband reference (transcript-rebuilt; emitter-appended) ---
"""Pipeline reference for scband-gnn-51049981280318 (READ-ONLY COPY).

The authoritative reference and input builder live on the scoring server;
editing this copy changes nothing except your own understanding.
"""

import jax, jax.numpy as jnp
import numpy as np

N = 10000
E = 320000
D = 128
H = 128
C = 10
G = 64


def setup_inputs(seed: int = 0) -> dict:
    key = jax.random.key(seed)
    ks = jax.random.split(key, 24)
    inp = {}
    inp['x'] = jax.random.normal(ks[0], (N, D), dtype=jnp.float32)
    inp['edge_index'] = jax.random.randint(ks[1], (2, E), 0, N, dtype=jnp.int32)
    inp['batch'] = jnp.sort(jax.random.randint(ks[2], (N,), 0, G, dtype=jnp.int32))
    dims = [(D, H), (H, H), (H, H)]
    for i, (din, dout) in enumerate(dims):
        inp[f'W_rel{i}'] = 0.05 * jax.random.normal(ks[3 + 3 * i], (din, dout), dtype=jnp.float32)
        inp[f'b_rel{i}'] = jnp.zeros((dout,), dtype=jnp.float32)
        inp[f'W_root{i}'] = 0.05 * jax.random.normal(ks[4 + 3 * i], (din, dout), dtype=jnp.float32)
        inp[f'gamma{i}'] = jnp.ones((dout,), dtype=jnp.float32)
        inp[f'beta{i}'] = jnp.zeros((dout,), dtype=jnp.float32)
    inp['W_cls'] = 0.05 * jax.random.normal(ks[20], (H, C), dtype=jnp.float32)
    inp['b_cls'] = jnp.zeros((C,), dtype=jnp.float32)
    return inp


def _graph_conv(x, src, dst, W_rel, b_rel, W_root):
    # PyG GraphConv: out = lin_rel(sum-aggr of neighbor messages) + lin_root(x)
    msg = x[src]
    agg = jax.ops.segment_sum(msg, dst, num_segments=N)
    return agg @ W_rel + b_rel + x @ W_root


def _batch_norm(x, gamma, beta):
    mean = jnp.mean(x, axis=0)
    var = jnp.var(x, axis=0)
    return (x - mean) / jnp.sqrt(var + 1e-5) * gamma + beta


def reference(x, edge_index, batch,
              W_rel0, b_rel0, W_root0, gamma0, beta0,
              W_rel1, b_rel1, W_root1, gamma1, beta1,
              W_rel2, b_rel2, W_root2, gamma2, beta2,
              W_cls, b_cls):
    src = edge_index[0]
    dst = edge_index[1]
    layers = [
        (W_rel0, b_rel0, W_root0, gamma0, beta0),
        (W_rel1, b_rel1, W_root1, gamma1, beta1),
        (W_rel2, b_rel2, W_root2, gamma2, beta2),
    ]
    h = x
    for (Wr, br, Wo, g, b) in layers:
        h = _graph_conv(h, src, dst, Wr, br, Wo)
        h = _batch_norm(h, g, b)
        h = jax.nn.relu(h)
        # dropout is identity at inference
    sums = jax.ops.segment_sum(h, batch, num_segments=G)
    cnt = jax.ops.segment_sum(jnp.ones((N,), dtype=jnp.float32), batch, num_segments=G)
    pooled = sums / jnp.clip(cnt, 1.0, None)[:, None]
    return pooled @ W_cls + b_cls


if False:  # reference __main__ guard neutralized (emitter)
    out = reference(**setup_inputs())
    print(out.shape)

if __name__ == "__main__":
    import jax
    _d = setup_inputs()
    print(jax.jit(kernel)(*tuple(_d.values())))

</pallas_src>

<mosaic_0001>
#map = affine_map<(d0, d1) -> (0, 0)>
#map1 = affine_map<(d0, d1) -> (0)>
module attributes {stable_mosaic.version = 14 : i64} {
  func.func @agg(%arg0: i32, %arg1: i32, %arg2: memref<10000x128xf32, #tpu.memory_space<hbm>>, %arg3: memref<323584xi32, #tpu.memory_space<hbm>>, %arg4: memref<323584xi32, #tpu.memory_space<hbm>>, %arg5: memref<632x128xf32, #tpu.memory_space<hbm>>, %arg6: memref<20224x128xf32, #tpu.memory_space<hbm>>, %arg7: memref<128xi32, #tpu.memory_space<vmem>>, %arg8: memref<128xi32, #tpu.memory_space<vmem>>, %arg9: memref<128x128xf32, #tpu.memory_space<vmem>>, %arg10: memref<10112x128xf32, #tpu.memory_space<vmem_shared>>, %arg11: memref<!tpu.dma_semaphore, #tpu.memory_space<semaphore_mem>>) attributes {dimension_semantics = [#tpu.dimension_semantics<core_parallel>, #tpu.dimension_semantics<subcore_parallel>], iteration_bounds = array<i64: 2, 16>, scalar_prefetch = 0 : i64, scratch_operands = 5 : i64, tpu.core_type = #tpu.core_type<sc_vector_subcore>, window_params = [{transform_indices = #map}, {transform_indices = #map1}, {transform_indices = #map1}, {transform_indices = #map}, {transform_indices = #map}]} {
    %mul3A = arith.constant 16 : i32
    %mul3A_0 = arith.muli %arg0, %mul3A : i32
    %add3A = arith.addi %mul3A_0, %arg1 : i32
    %mul3A_1 = arith.constant 10112 : i32
    %mul3A_2 = arith.muli %add3A, %mul3A_1 : i32
    %mul3A_3 = arith.constant 632 : i32
    %mul3A_4 = arith.muli %arg1, %mul3A_3 : i32
    "tpu.region"() ({
      %run_scoped3A = tpu.sem_alloc : memref<!tpu.dma_semaphore, #tpu.memory_space<semaphore_mem>>
      %dma_start3A = arith.constant 0 : i32
      %dma_start3A_18 = tpu.memref_slice %arg10[%mul3A_4, %dma_start3A] : memref<10112x128xf32, #tpu.memory_space<vmem_shared>> -> memref<632x128xf32, #tpu.memory_space<vmem_shared>>
      tpu.enqueue_dma source(%arg5 : memref<632x128xf32, #tpu.memory_space<hbm>>) target(%dma_start3A_18 : memref<632x128xf32, #tpu.memory_space<vmem_shared>>) target_semaphore(%run_scoped3A : memref<!tpu.dma_semaphore, #tpu.memory_space<semaphore_mem>>)
      %dma_wait3A = arith.constant 0 : i32
      %dma_wait3A_19 = tpu.memref_slice %arg10[%mul3A_4, %dma_wait3A] : memref<10112x128xf32, #tpu.memory_space<vmem_shared>> -> memref<632x128xf32, #tpu.memory_space<vmem_shared>>
      tpu.wait_dma2 semaphore(%run_scoped3A : memref<!tpu.dma_semaphore, #tpu.memory_space<semaphore_mem>>) src(%arg5 : memref<632x128xf32, #tpu.memory_space<hbm>>) dst(%dma_wait3A_19 : memref<632x128xf32, #tpu.memory_space<vmem_shared>>)
      tpu.yield
    }) : () -> ()
    %barrier3A = arith.constant 0 : index
    tpu.barrier barrier_id(%barrier3A)
    %scan3A = arith.constant 0 : i32
    %scan3A_5 = arith.constant 0 : i32
    %scan3A_6 = arith.constant 79 : i32
    %scan3A_7 = arith.addi %scan3A_5, %scan3A_6 : i32
    %scan3A_8 = arith.constant 1 : i32
    scf.for %scan3A_18 = %scan3A_5 to %scan3A_7 step %scan3A_8  : i32 {
      %mul3A_19 = arith.constant 128 : i32
      %mul3A_20 = arith.muli %scan3A_18, %mul3A_19 : i32
      %add3A_21 = arith.addi %mul3A_2, %mul3A_20 : i32
      "tpu.region"() ({
        %run_scoped3A = tpu.sem_alloc : memref<!tpu.dma_semaphore, #tpu.memory_space<semaphore_mem>>
        %dma_start3A_26 = tpu.memref_slice %arg3[%add3A_21] : memref<323584xi32, #tpu.memory_space<hbm>> -> memref<128xi32, #tpu.memory_space<hbm>>
        %dma_start3A_27 = tpu.memref_slice %arg3[%add3A_21] : memref<323584xi32, #tpu.memory_space<hbm>> -> memref<128xi32, #tpu.memory_space<hbm>>
        tpu.enqueue_dma source(%dma_start3A_27 : memref<128xi32, #tpu.memory_space<hbm>>) target(%arg7 : memref<128xi32, #tpu.memory_space<vmem>>) target_semaphore(%run_scoped3A : memref<!tpu.dma_semaphore, #tpu.memory_space<semaphore_mem>>)
        %dma_wait3A_28 = tpu.memref_slice %arg3[%add3A_21] : memref<323584xi32, #tpu.memory_space<hbm>> -> memref<128xi32, #tpu.memory_space<hbm>>
        %dma_wait3A_29 = tpu.memref_slice %arg3[%add3A_21] : memref<323584xi32, #tpu.memory_space<hbm>> -> memref<128xi32, #tpu.memory_space<hbm>>
        tpu.wait_dma2 semaphore(%run_scoped3A : memref<!tpu.dma_semaphore, #tpu.memory_space<semaphore_mem>>) src(%dma_wait3A_29 : memref<128xi32, #tpu.memory_space<hbm>>) dst(%arg7 : memref<128xi32, #tpu.memory_space<vmem>>)
        tpu.yield
      }) : () -> ()
      %dma_start3A = arith.constant 0 : i32
      %dma_start3A_22 = arith.constant 0 : i32
      %dma_start3A_23 = tpu.memref_slice %arg2[%dma_start3A, %dma_start3A_22] : memref<10000x128xf32, #tpu.memory_space<hbm>> -> memref<10000x128xf32, #tpu.memory_space<hbm>>
      tpu.enqueue_indirect_dma source(%dma_start3A_23 : memref<10000x128xf32, #tpu.memory_space<hbm>>) target(%arg9 : memref<128x128xf32, #tpu.memory_space<vmem>>) offsets(%arg7 : memref<128xi32, #tpu.memory_space<vmem>>) semaphore(%arg11 : memref<!tpu.dma_semaphore, #tpu.memory_space<semaphore_mem>>)
      "tpu.region"() ({
        %run_scoped3A = tpu.sem_alloc : memref<!tpu.dma_semaphore, #tpu.memory_space<semaphore_mem>>
        %dma_start3A_26 = tpu.memref_slice %arg4[%add3A_21] : memref<323584xi32, #tpu.memory_space<hbm>> -> memref<128xi32, #tpu.memory_space<hbm>>
        %dma_start3A_27 = tpu.memref_slice %arg4[%add3A_21] : memref<323584xi32, #tpu.memory_space<hbm>> -> memref<128xi32, #tpu.memory_space<hbm>>
        tpu.enqueue_dma source(%dma_start3A_27 : memref<128xi32, #tpu.memory_space<hbm>>) target(%arg8 : memref<128xi32, #tpu.memory_space<vmem>>) target_semaphore(%run_scoped3A : memref<!tpu.dma_semaphore, #tpu.memory_space<semaphore_mem>>)
        %dma_wait3A_28 = tpu.memref_slice %arg4[%add3A_21] : memref<323584xi32, #tpu.memory_space<hbm>> -> memref<128xi32, #tpu.memory_space<hbm>>
        %dma_wait3A_29 = tpu.memref_slice %arg4[%add3A_21] : memref<323584xi32, #tpu.memory_space<hbm>> -> memref<128xi32, #tpu.memory_space<hbm>>
        tpu.wait_dma2 semaphore(%run_scoped3A : memref<!tpu.dma_semaphore, #tpu.memory_space<semaphore_mem>>) src(%dma_wait3A_29 : memref<128xi32, #tpu.memory_space<hbm>>) dst(%arg8 : memref<128xi32, #tpu.memory_space<vmem>>)
        tpu.yield
      }) : () -> ()
      %dma_wait3A = arith.constant 0 : i32
      %dma_wait3A_24 = arith.constant 0 : i32
      %dma_wait3A_25 = tpu.memref_slice %arg2[%dma_wait3A, %dma_wait3A_24] : memref<10000x128xf32, #tpu.memory_space<hbm>> -> memref<10000x128xf32, #tpu.memory_space<hbm>>
      tpu.wait_indirect_dma semaphore(%arg11 : memref<!tpu.dma_semaphore, #tpu.memory_space<semaphore_mem>>) src(%dma_wait3A_25 : memref<10000x128xf32, #tpu.memory_space<hbm>>) dst(%arg9 : memref<128x128xf32, #tpu.memory_space<vmem>>)
      "tpu.region"() ({
        %run_scoped3A = tpu.sem_alloc : memref<!tpu.dma_semaphore, #tpu.memory_space<semaphore_mem>>
        %dma_start3A_26 = arith.constant 0 : i32
        %dma_start3A_27 = arith.constant 0 : i32
        %dma_start3A_28 = tpu.memref_slice %arg10[%dma_start3A_26, %dma_start3A_27] : memref<10112x128xf32, #tpu.memory_space<vmem_shared>> -> memref<10112x128xf32, #tpu.memory_space<vmem_shared>>
        tpu.enqueue_indirect_dma source(%arg9 : memref<128x128xf32, #tpu.memory_space<vmem>>) target(%dma_start3A_28 : memref<10112x128xf32, #tpu.memory_space<vmem_shared>>) offsets(%arg8 : memref<128xi32, #tpu.memory_space<vmem>>) semaphore(%run_scoped3A : memref<!tpu.dma_semaphore, #tpu.memory_space<semaphore_mem>>) {add = true}
        %dma_wait3A_29 = arith.constant 0 : i32
        %dma_wait3A_30 = arith.constant 0 : i32
        %dma_wait3A_31 = tpu.memref_slice %arg10[%dma_wait3A_29, %dma_wait3A_30] : memref<10112x128xf32, #tpu.memory_space<vmem_shared>> -> memref<10112x128xf32, #tpu.memory_space<vmem_shared>>
        tpu.wait_indirect_dma semaphore(%run_scoped3A : memref<!tpu.dma_semaphore, #tpu.memory_space<semaphore_mem>>) src(%arg9 : memref<128x128xf32, #tpu.memory_space<vmem>>) dst(%dma_wait3A_31 : memref<10112x128xf32, #tpu.memory_space<vmem_shared>>)
        tpu.yield
      }) : () -> ()
    }
    %scan3A_9 = arith.constant 79 : i32
    %barrier3A_10 = arith.constant 0 : index
    tpu.barrier barrier_id(%barrier3A_10)
    %mul3A_11 = arith.constant 632 : i32
    %mul3A_12 = arith.muli %arg1, %mul3A_11 : i32
    %mul3A_13 = arith.constant 10112 : i32
    %mul3A_14 = arith.muli %arg0, %mul3A_13 : i32
    %mul3A_15 = arith.constant 632 : i32
    %mul3A_16 = arith.muli %arg1, %mul3A_15 : i32
    %add3A_17 = arith.addi %mul3A_14, %mul3A_16 : i32
    "tpu.region"() ({
      %run_scoped3A = tpu.sem_alloc : memref<!tpu.dma_semaphore, #tpu.memory_space<semaphore_mem>>
      %dma_start3A = arith.constant 0 : i32
      %dma_start3A_18 = tpu.memref_slice %arg6[%add3A_17, %dma_start3A] : memref<20224x128xf32, #tpu.memory_space<hbm>> -> memref<632x128xf32, #tpu.memory_space<hbm>>
      %dma_start3A_19 = arith.constant 0 : i32
      %dma_start3A_20 = tpu.memref_slice %arg10[%mul3A_12, %dma_start3A_19] : memref<10112x128xf32, #tpu.memory_space<vmem_shared>> -> memref<632x128xf32, #tpu.memory_space<vmem_shared>>
      tpu.enqueue_dma source(%dma_start3A_20 : memref<632x128xf32, #tpu.memory_space<vmem_shared>>) target(%dma_start3A_18 : memref<632x128xf32, #tpu.memory_space<hbm>>) target_semaphore(%run_scoped3A : memref<!tpu.dma_semaphore, #tpu.memory_space<semaphore_mem>>)
      %dma_wait3A = arith.constant 0 : i32
      %dma_wait3A_21 = tpu.memref_slice %arg6[%add3A_17, %dma_wait3A] : memref<20224x128xf32, #tpu.memory_space<hbm>> -> memref<632x128xf32, #tpu.memory_space<hbm>>
      %dma_wait3A_22 = arith.constant 0 : i32
      %dma_wait3A_23 = tpu.memref_slice %arg10[%mul3A_12, %dma_wait3A_22] : memref<10112x128xf32, #tpu.memory_space<vmem_shared>> -> memref<632x128xf32, #tpu.memory_space<vmem_shared>>
      tpu.wait_dma2 semaphore(%run_scoped3A : memref<!tpu.dma_semaphore, #tpu.memory_space<semaphore_mem>>) src(%dma_wait3A_23 : memref<632x128xf32, #tpu.memory_space<vmem_shared>>) dst(%dma_wait3A_21 : memref<632x128xf32, #tpu.memory_space<hbm>>)
      tpu.yield
    }) : () -> ()
    return
  }
}

#map = affine_map<(d0, d1) -> (0, 0)>
#map1 = affine_map<(d0, d1) -> (0)>
module attributes {stable_mosaic.version = 14 : i64} {
  func.func @agg(%arg0: i32, %arg1: i32, %arg2: memref<10000x128xf32, #tpu.memory_space<hbm>>, %arg3: memref<323584xi32, #tpu.memory_space<hbm>>, %arg4: memref<323584xi32, #tpu.memory_space<hbm>>, %arg5: memref<632x128xf32, #tpu.memory_space<hbm>>, %arg6: memref<20224x128xf32, #tpu.memory_space<hbm>>, %arg7: memref<128xi32, #tpu.memory_space<vmem>>, %arg8: memref<128xi32, #tpu.memory_space<vmem>>, %arg9: memref<128x128xf32, #tpu.memory_space<vmem>>, %arg10: memref<10112x128xf32, #tpu.memory_space<vmem_shared>>, %arg11: memref<!tpu.dma_semaphore, #tpu.memory_space<semaphore_mem>>) attributes {dimension_semantics = [#tpu.dimension_semantics<core_parallel>, #tpu.dimension_semantics<subcore_parallel>], iteration_bounds = array<i64: 2, 16>, scalar_prefetch = 0 : i64, scratch_operands = 5 : i64, tpu.core_type = #tpu.core_type<sc_vector_subcore>, window_params = [{transform_indices = #map}, {transform_indices = #map1}, {transform_indices = #map1}, {transform_indices = #map}, {transform_indices = #map}]} {
    %mul3A = arith.constant 16 : i32
    %mul3A_0 = arith.muli %arg0, %mul3A : i32
    %add3A = arith.addi %mul3A_0, %arg1 : i32
    %mul3A_1 = arith.constant 10112 : i32
    %mul3A_2 = arith.muli %add3A, %mul3A_1 : i32
    %mul3A_3 = arith.constant 632 : i32
    %mul3A_4 = arith.muli %arg1, %mul3A_3 : i32
    "tpu.region"() ({
      %run_scoped3A = tpu.sem_alloc : memref<!tpu.dma_semaphore, #tpu.memory_space<semaphore_mem>>
      %dma_start3A = arith.constant 0 : i32
      %dma_start3A_18 = tpu.memref_slice %arg10[%mul3A_4, %dma_start3A] : memref<10112x128xf32, #tpu.memory_space<vmem_shared>> -> memref<632x128xf32, #tpu.memory_space<vmem_shared>>
      tpu.enqueue_dma source(%arg5 : memref<632x128xf32, #tpu.memory_space<hbm>>) target(%dma_start3A_18 : memref<632x128xf32, #tpu.memory_space<vmem_shared>>) target_semaphore(%run_scoped3A : memref<!tpu.dma_semaphore, #tpu.memory_space<semaphore_mem>>)
      %dma_wait3A = arith.constant 0 : i32
      %dma_wait3A_19 = tpu.memref_slice %arg10[%mul3A_4, %dma_wait3A] : memref<10112x128xf32, #tpu.memory_space<vmem_shared>> -> memref<632x128xf32, #tpu.memory_space<vmem_shared>>
      tpu.wait_dma2 semaphore(%run_scoped3A : memref<!tpu.dma_semaphore, #tpu.memory_space<semaphore_mem>>) src(%arg5 : memref<632x128xf32, #tpu.memory_space<hbm>>) dst(%dma_wait3A_19 : memref<632x128xf32, #tpu.memory_space<vmem_shared>>)
      tpu.yield
    }) : () -> ()
    %barrier3A = arith.constant 0 : index
    tpu.barrier barrier_id(%barrier3A)
    %scan3A = arith.constant 0 : i32
    %scan3A_5 = arith.constant 0 : i32
    %scan3A_6 = arith.constant 79 : i32
    %scan3A_7 = arith.addi %scan3A_5, %scan3A_6 : i32
    %scan3A_8 = arith.constant 1 : i32
    scf.for %scan3A_18 = %scan3A_5 to %scan3A_7 step %scan3A_8  : i32 {
      %mul3A_19 = arith.constant 128 : i32
      %mul3A_20 = arith.muli %scan3A_18, %mul3A_19 : i32
      %add3A_21 = arith.addi %mul3A_2, %mul3A_20 : i32
      "tpu.region"() ({
        %run_scoped3A = tpu.sem_alloc : memref<!tpu.dma_semaphore, #tpu.memory_space<semaphore_mem>>
        %dma_start3A_26 = tpu.memref_slice %arg3[%add3A_21] : memref<323584xi32, #tpu.memory_space<hbm>> -> memref<128xi32, #tpu.memory_space<hbm>>
        %dma_start3A_27 = tpu.memref_slice %arg3[%add3A_21] : memref<323584xi32, #tpu.memory_space<hbm>> -> memref<128xi32, #tpu.memory_space<hbm>>
        tpu.enqueue_dma source(%dma_start3A_27 : memref<128xi32, #tpu.memory_space<hbm>>) target(%arg7 : memref<128xi32, #tpu.memory_space<vmem>>) target_semaphore(%run_scoped3A : memref<!tpu.dma_semaphore, #tpu.memory_space<semaphore_mem>>)
        %dma_wait3A_28 = tpu.memref_slice %arg3[%add3A_21] : memref<323584xi32, #tpu.memory_space<hbm>> -> memref<128xi32, #tpu.memory_space<hbm>>
        %dma_wait3A_29 = tpu.memref_slice %arg3[%add3A_21] : memref<323584xi32, #tpu.memory_space<hbm>> -> memref<128xi32, #tpu.memory_space<hbm>>
        tpu.wait_dma2 semaphore(%run_scoped3A : memref<!tpu.dma_semaphore, #tpu.memory_space<semaphore_mem>>) src(%dma_wait3A_29 : memref<128xi32, #tpu.memory_space<hbm>>) dst(%arg7 : memref<128xi32, #tpu.memory_space<vmem>>)
        tpu.yield
      }) : () -> ()
      %dma_start3A = arith.constant 0 : i32
      %dma_start3A_22 = arith.constant 0 : i32
      %dma_start3A_23 = tpu.memref_slice %arg2[%dma_start3A, %dma_start3A_22] : memref<10000x128xf32, #tpu.memory_space<hbm>> -> memref<10000x128xf32, #tpu.memory_space<hbm>>
      tpu.enqueue_indirect_dma source(%dma_start3A_23 : memref<10000x128xf32, #tpu.memory_space<hbm>>) target(%arg9 : memref<128x128xf32, #tpu.memory_space<vmem>>) offsets(%arg7 : memref<128xi32, #tpu.memory_space<vmem>>) semaphore(%arg11 : memref<!tpu.dma_semaphore, #tpu.memory_space<semaphore_mem>>)
      "tpu.region"() ({
        %run_scoped3A = tpu.sem_alloc : memref<!tpu.dma_semaphore, #tpu.memory_space<semaphore_mem>>
        %dma_start3A_26 = tpu.memref_slice %arg4[%add3A_21] : memref<323584xi32, #tpu.memory_space<hbm>> -> memref<128xi32, #tpu.memory_space<hbm>>
        %dma_start3A_27 = tpu.memref_slice %arg4[%add3A_21] : memref<323584xi32, #tpu.memory_space<hbm>> -> memref<128xi32, #tpu.memory_space<hbm>>
        tpu.enqueue_dma source(%dma_start3A_27 : memref<128xi32, #tpu.memory_space<hbm>>) target(%arg8 : memref<128xi32, #tpu.memory_space<vmem>>) target_semaphore(%run_scoped3A : memref<!tpu.dma_semaphore, #tpu.memory_space<semaphore_mem>>)
        %dma_wait3A_28 = tpu.memref_slice %arg4[%add3A_21] : memref<323584xi32, #tpu.memory_space<hbm>> -> memref<128xi32, #tpu.memory_space<hbm>>
        %dma_wait3A_29 = tpu.memref_slice %arg4[%add3A_21] : memref<323584xi32, #tpu.memory_space<hbm>> -> memref<128xi32, #tpu.memory_space<hbm>>
        tpu.wait_dma2 semaphore(%run_scoped3A : memref<!tpu.dma_semaphore, #tpu.memory_space<semaphore_mem>>) src(%dma_wait3A_29 : memref<128xi32, #tpu.memory_space<hbm>>) dst(%arg8 : memref<128xi32, #tpu.memory_space<vmem>>)
        tpu.yield
      }) : () -> ()
      %dma_wait3A = arith.constant 0 : i32
      %dma_wait3A_24 = arith.constant 0 : i32
      %dma_wait3A_25 = tpu.memref_slice %arg2[%dma_wait3A, %dma_wait3A_24] : memref<10000x128xf32, #tpu.memory_space<hbm>> -> memref<10000x128xf32, #tpu.memory_space<hbm>>
      tpu.wait_indirect_dma semaphore(%arg11 : memref<!tpu.dma_semaphore, #tpu.memory_space<semaphore_mem>>) src(%dma_wait3A_25 : memref<10000x128xf32, #tpu.memory_space<hbm>>) dst(%arg9 : memref<128x128xf32, #tpu.memory_space<vmem>>)
      "tpu.region"() ({
        %run_scoped3A = tpu.sem_alloc : memref<!tpu.dma_semaphore, #tpu.memory_space<semaphore_mem>>
        %dma_start3A_26 = arith.constant 0 : i32
        %dma_start3A_27 = arith.constant 0 : i32
        %dma_start3A_28 = tpu.memref_slice %arg10[%dma_start3A_26, %dma_start3A_27] : memref<10112x128xf32, #tpu.memory_space<vmem_shared>> -> memref<10112x128xf32, #tpu.memory_space<vmem_shared>>
        tpu.enqueue_indirect_dma source(%arg9 : memref<128x128xf32, #tpu.memory_space<vmem>>) target(%dma_start3A_28 : memref<10112x128xf32, #tpu.memory_space<vmem_shared>>) offsets(%arg8 : memref<128xi32, #tpu.memory_space<vmem>>) semaphore(%run_scoped3A : memref<!tpu.dma_semaphore, #tpu.memory_space<semaphore_mem>>) {add = true}
        %dma_wait3A_29 = arith.constant 0 : i32
        %dma_wait3A_30 = arith.constant 0 : i32
        %dma_wait3A_31 = tpu.memref_slice %arg10[%dma_wait3A_29, %dma_wait3A_30] : memref<10112x128xf32, #tpu.memory_space<vmem_shared>> -> memref<10112x128xf32, #tpu.memory_space<vmem_shared>>
        tpu.wait_indirect_dma semaphore(%run_scoped3A : memref<!tpu.dma_semaphore, #tpu.memory_space<semaphore_mem>>) src(%arg9 : memref<128x128xf32, #tpu.memory_space<vmem>>) dst(%dma_wait3A_31 : memref<10112x128xf32, #tpu.memory_space<vmem_shared>>)
        tpu.yield
      }) : () -> ()
    }
    %scan3A_9 = arith.constant 79 : i32
    %barrier3A_10 = arith.constant 0 : index
    tpu.barrier barrier_id(%barrier3A_10)
    %mul3A_11 = arith.constant 632 : i32
    %mul3A_12 = arith.muli %arg1, %mul3A_11 : i32
    %mul3A_13 = arith.constant 10112 : i32
    %mul3A_14 = arith.muli %arg0, %mul3A_13 : i32
    %mul3A_15 = arith.constant 632 : i32
    %mul3A_16 = arith.muli %arg1, %mul3A_15 : i32
    %add3A_17 = arith.addi %mul3A_14, %mul3A_16 : i32
    "tpu.region"() ({
      %run_scoped3A = tpu.sem_alloc : memref<!tpu.dma_semaphore, #tpu.memory_space<semaphore_mem>>
      %dma_start3A = arith.constant 0 : i32
      %dma_start3A_18 = tpu.memref_slice %arg6[%add3A_17, %dma_start3A] : memref<20224x128xf32, #tpu.memory_space<hbm>> -> memref<632x128xf32, #tpu.memory_space<hbm>>
      %dma_start3A_19 = arith.constant 0 : i32
      %dma_start3A_20 = tpu.memref_slice %arg10[%mul3A_12, %dma_start3A_19] : memref<10112x128xf32, #tpu.memory_space<vmem_shared>> -> memref<632x128xf32, #tpu.memory_space<vmem_shared>>
      tpu.enqueue_dma source(%dma_start3A_20 : memref<632x128xf32, #tpu.memory_space<vmem_shared>>) target(%dma_start3A_18 : memref<632x128xf32, #tpu.memory_space<hbm>>) target_semaphore(%run_scoped3A : memref<!tpu.dma_semaphore, #tpu.memory_space<semaphore_mem>>)
      %dma_wait3A = arith.constant 0 : i32
      %dma_wait3A_21 = tpu.memref_slice %arg6[%add3A_17, %dma_wait3A] : memref<20224x128xf32, #tpu.memory_space<hbm>> -> memref<632x128xf32, #tpu.memory_space<hbm>>
      %dma_wait3A_22 = arith.constant 0 : i32
      %dma_wait3A_23 = tpu.memref_slice %arg10[%mul3A_12, %dma_wait3A_22] : memref<10112x128xf32, #tpu.memory_space<vmem_shared>> -> memref<632x128xf32, #tpu.memory_space<vmem_shared>>
      tpu.wait_dma2 semaphore(%run_scoped3A : memref<!tpu.dma_semaphore, #tpu.memory_space<semaphore_mem>>) src(%dma_wait3A_23 : memref<632x128xf32, #tpu.memory_space<vmem_shared>>) dst(%dma_wait3A_21 : memref<632x128xf32, #tpu.memory_space<hbm>>)
      tpu.yield
    }) : () -> ()
    return
  }
}

#map = affine_map<(d0, d1) -> (0, 0)>
#map1 = affine_map<(d0, d1) -> (0)>
module attributes {stable_mosaic.version = 14 : i64} {
  func.func @agg(%arg0: i32, %arg1: i32, %arg2: memref<10000x128xf32, #tpu.memory_space<hbm>>, %arg3: memref<323584xi32, #tpu.memory_space<hbm>>, %arg4: memref<323584xi32, #tpu.memory_space<hbm>>, %arg5: memref<632x128xf32, #tpu.memory_space<hbm>>, %arg6: memref<20224x128xf32, #tpu.memory_space<hbm>>, %arg7: memref<128xi32, #tpu.memory_space<vmem>>, %arg8: memref<128xi32, #tpu.memory_space<vmem>>, %arg9: memref<128x128xf32, #tpu.memory_space<vmem>>, %arg10: memref<10112x128xf32, #tpu.memory_space<vmem_shared>>, %arg11: memref<!tpu.dma_semaphore, #tpu.memory_space<semaphore_mem>>) attributes {dimension_semantics = [#tpu.dimension_semantics<core_parallel>, #tpu.dimension_semantics<subcore_parallel>], iteration_bounds = array<i64: 2, 16>, scalar_prefetch = 0 : i64, scratch_operands = 5 : i64, tpu.core_type = #tpu.core_type<sc_vector_subcore>, window_params = [{transform_indices = #map}, {transform_indices = #map1}, {transform_indices = #map1}, {transform_indices = #map}, {transform_indices = #map}]} {
    %mul3A = arith.constant 16 : i32
    %mul3A_0 = arith.muli %arg0, %mul3A : i32
    %add3A = arith.addi %mul3A_0, %arg1 : i32
    %mul3A_1 = arith.constant 10112 : i32
    %mul3A_2 = arith.muli %add3A, %mul3A_1 : i32
    %mul3A_3 = arith.constant 632 : i32
    %mul3A_4 = arith.muli %arg1, %mul3A_3 : i32
    "tpu.region"() ({
      %run_scoped3A = tpu.sem_alloc : memref<!tpu.dma_semaphore, #tpu.memory_space<semaphore_mem>>
      %dma_start3A = arith.constant 0 : i32
      %dma_start3A_18 = tpu.memref_slice %arg10[%mul3A_4, %dma_start3A] : memref<10112x128xf32, #tpu.memory_space<vmem_shared>> -> memref<632x128xf32, #tpu.memory_space<vmem_shared>>
      tpu.enqueue_dma source(%arg5 : memref<632x128xf32, #tpu.memory_space<hbm>>) target(%dma_start3A_18 : memref<632x128xf32, #tpu.memory_space<vmem_shared>>) target_semaphore(%run_scoped3A : memref<!tpu.dma_semaphore, #tpu.memory_space<semaphore_mem>>)
      %dma_wait3A = arith.constant 0 : i32
      %dma_wait3A_19 = tpu.memref_slice %arg10[%mul3A_4, %dma_wait3A] : memref<10112x128xf32, #tpu.memory_space<vmem_shared>> -> memref<632x128xf32, #tpu.memory_space<vmem_shared>>
      tpu.wait_dma2 semaphore(%run_scoped3A : memref<!tpu.dma_semaphore, #tpu.memory_space<semaphore_mem>>) src(%arg5 : memref<632x128xf32, #tpu.memory_space<hbm>>) dst(%dma_wait3A_19 : memref<632x128xf32, #tpu.memory_space<vmem_shared>>)
      tpu.yield
    }) : () -> ()
    %barrier3A = arith.constant 0 : index
    tpu.barrier barrier_id(%barrier3A)
    %scan3A = arith.constant 0 : i32
    %scan3A_5 = arith.constant 0 : i32
    %scan3A_6 = arith.constant 79 : i32
    %scan3A_7 = arith.addi %scan3A_5, %scan3A_6 : i32
    %scan3A_8 = arith.constant 1 : i32
    scf.for %scan3A_18 = %scan3A_5 to %scan3A_7 step %scan3A_8  : i32 {
      %mul3A_19 = arith.constant 128 : i32
      %mul3A_20 = arith.muli %scan3A_18, %mul3A_19 : i32
      %add3A_21 = arith.addi %mul3A_2, %mul3A_20 : i32
      "tpu.region"() ({
        %run_scoped3A = tpu.sem_alloc : memref<!tpu.dma_semaphore, #tpu.memory_space<semaphore_mem>>
        %dma_start3A_26 = tpu.memref_slice %arg3[%add3A_21] : memref<323584xi32, #tpu.memory_space<hbm>> -> memref<128xi32, #tpu.memory_space<hbm>>
        %dma_start3A_27 = tpu.memref_slice %arg3[%add3A_21] : memref<323584xi32, #tpu.memory_space<hbm>> -> memref<128xi32, #tpu.memory_space<hbm>>
        tpu.enqueue_dma source(%dma_start3A_27 : memref<128xi32, #tpu.memory_space<hbm>>) target(%arg7 : memref<128xi32, #tpu.memory_space<vmem>>) target_semaphore(%run_scoped3A : memref<!tpu.dma_semaphore, #tpu.memory_space<semaphore_mem>>)
        %dma_wait3A_28 = tpu.memref_slice %arg3[%add3A_21] : memref<323584xi32, #tpu.memory_space<hbm>> -> memref<128xi32, #tpu.memory_space<hbm>>
        %dma_wait3A_29 = tpu.memref_slice %arg3[%add3A_21] : memref<323584xi32, #tpu.memory_space<hbm>> -> memref<128xi32, #tpu.memory_space<hbm>>
        tpu.wait_dma2 semaphore(%run_scoped3A : memref<!tpu.dma_semaphore, #tpu.memory_space<semaphore_mem>>) src(%dma_wait3A_29 : memref<128xi32, #tpu.memory_space<hbm>>) dst(%arg7 : memref<128xi32, #tpu.memory_space<vmem>>)
        tpu.yield
      }) : () -> ()
      %dma_start3A = arith.constant 0 : i32
      %dma_start3A_22 = arith.constant 0 : i32
      %dma_start3A_23 = tpu.memref_slice %arg2[%dma_start3A, %dma_start3A_22] : memref<10000x128xf32, #tpu.memory_space<hbm>> -> memref<10000x128xf32, #tpu.memory_space<hbm>>
      tpu.enqueue_indirect_dma source(%dma_start3A_23 : memref<10000x128xf32, #tpu.memory_space<hbm>>) target(%arg9 : memref<128x128xf32, #tpu.memory_space<vmem>>) offsets(%arg7 : memref<128xi32, #tpu.memory_space<vmem>>) semaphore(%arg11 : memref<!tpu.dma_semaphore, #tpu.memory_space<semaphore_mem>>)
      "tpu.region"() ({
        %run_scoped3A = tpu.sem_alloc : memref<!tpu.dma_semaphore, #tpu.memory_space<semaphore_mem>>
        %dma_start3A_26 = tpu.memref_slice %arg4[%add3A_21] : memref<323584xi32, #tpu.memory_space<hbm>> -> memref<128xi32, #tpu.memory_space<hbm>>
        %dma_start3A_27 = tpu.memref_slice %arg4[%add3A_21] : memref<323584xi32, #tpu.memory_space<hbm>> -> memref<128xi32, #tpu.memory_space<hbm>>
        tpu.enqueue_dma source(%dma_start3A_27 : memref<128xi32, #tpu.memory_space<hbm>>) target(%arg8 : memref<128xi32, #tpu.memory_space<vmem>>) target_semaphore(%run_scoped3A : memref<!tpu.dma_semaphore, #tpu.memory_space<semaphore_mem>>)
        %dma_wait3A_28 = tpu.memref_slice %arg4[%add3A_21] : memref<323584xi32, #tpu.memory_space<hbm>> -> memref<128xi32, #tpu.memory_space<hbm>>
        %dma_wait3A_29 = tpu.memref_slice %arg4[%add3A_21] : memref<323584xi32, #tpu.memory_space<hbm>> -> memref<128xi32, #tpu.memory_space<hbm>>
        tpu.wait_dma2 semaphore(%run_scoped3A : memref<!tpu.dma_semaphore, #tpu.memory_space<semaphore_mem>>) src(%dma_wait3A_29 : memref<128xi32, #tpu.memory_space<hbm>>) dst(%arg8 : memref<128xi32, #tpu.memory_space<vmem>>)
        tpu.yield
      }) : () -> ()
      %dma_wait3A = arith.constant 0 : i32
      %dma_wait3A_24 = arith.constant 0 : i32
      %dma_wait3A_25 = tpu.memref_slice %arg2[%dma_wait3A, %dma_wait3A_24] : memref<10000x128xf32, #tpu.memory_space<hbm>> -> memref<10000x128xf32, #tpu.memory_space<hbm>>
      tpu.wait_indirect_dma semaphore(%arg11 : memref<!tpu.dma_semaphore, #tpu.memory_space<semaphore_mem>>) src(%dma_wait3A_25 : memref<10000x128xf32, #tpu.memory_space<hbm>>) dst(%arg9 : memref<128x128xf32, #tpu.memory_space<vmem>>)
      "tpu.region"() ({
        %run_scoped3A = tpu.sem_alloc : memref<!tpu.dma_semaphore, #tpu.memory_space<semaphore_mem>>
        %dma_start3A_26 = arith.constant 0 : i32
        %dma_start3A_27 = arith.constant 0 : i32
        %dma_start3A_28 = tpu.memref_slice %arg10[%dma_start3A_26, %dma_start3A_27] : memref<10112x128xf32, #tpu.memory_space<vmem_shared>> -> memref<10112x128xf32, #tpu.memory_space<vmem_shared>>
        tpu.enqueue_indirect_dma source(%arg9 : memref<128x128xf32, #tpu.memory_space<vmem>>) target(%dma_start3A_28 : memref<10112x128xf32, #tpu.memory_space<vmem_shared>>) offsets(%arg8 : memref<128xi32, #tpu.memory_space<vmem>>) semaphore(%run_scoped3A : memref<!tpu.dma_semaphore, #tpu.memory_space<semaphore_mem>>) {add = true}
        %dma_wait3A_29 = arith.constant 0 : i32
        %dma_wait3A_30 = arith.constant 0 : i32
        %dma_wait3A_31 = tpu.memref_slice %arg10[%dma_wait3A_29, %dma_wait3A_30] : memref<10112x128xf32, #tpu.memory_space<vmem_shared>> -> memref<10112x128xf32, #tpu.memory_space<vmem_shared>>
        tpu.wait_indirect_dma semaphore(%run_scoped3A : memref<!tpu.dma_semaphore, #tpu.memory_space<semaphore_mem>>) src(%arg9 : memref<128x128xf32, #tpu.memory_space<vmem>>) dst(%dma_wait3A_31 : memref<10112x128xf32, #tpu.memory_space<vmem_shared>>)
        tpu.yield
      }) : () -> ()
    }
    %scan3A_9 = arith.constant 79 : i32
    %barrier3A_10 = arith.constant 0 : index
    tpu.barrier barrier_id(%barrier3A_10)
    %mul3A_11 = arith.constant 632 : i32
    %mul3A_12 = arith.muli %arg1, %mul3A_11 : i32
    %mul3A_13 = arith.constant 10112 : i32
    %mul3A_14 = arith.muli %arg0, %mul3A_13 : i32
    %mul3A_15 = arith.constant 632 : i32
    %mul3A_16 = arith.muli %arg1, %mul3A_15 : i32
    %add3A_17 = arith.addi %mul3A_14, %mul3A_16 : i32
    "tpu.region"() ({
      %run_scoped3A = tpu.sem_alloc : memref<!tpu.dma_semaphore, #tpu.memory_space<semaphore_mem>>
      %dma_start3A = arith.constant 0 : i32
      %dma_start3A_18 = tpu.memref_slice %arg6[%add3A_17, %dma_start3A] : memref<20224x128xf32, #tpu.memory_space<hbm>> -> memref<632x128xf32, #tpu.memory_space<hbm>>
      %dma_start3A_19 = arith.constant 0 : i32
      %dma_start3A_20 = tpu.memref_slice %arg10[%mul3A_12, %dma_start3A_19] : memref<10112x128xf32, #tpu.memory_space<vmem_shared>> -> memref<632x128xf32, #tpu.memory_space<vmem_shared>>
      tpu.enqueue_dma source(%dma_start3A_20 : memref<632x128xf32, #tpu.memory_space<vmem_shared>>) target(%dma_start3A_18 : memref<632x128xf32, #tpu.memory_space<hbm>>) target_semaphore(%run_scoped3A : memref<!tpu.dma_semaphore, #tpu.memory_space<semaphore_mem>>)
      %dma_wait3A = arith.constant 0 : i32
      %dma_wait3A_21 = tpu.memref_slice %arg6[%add3A_17, %dma_wait3A] : memref<20224x128xf32, #tpu.memory_space<hbm>> -> memref<632x128xf32, #tpu.memory_space<hbm>>
      %dma_wait3A_22 = arith.constant 0 : i32
      %dma_wait3A_23 = tpu.memref_slice %arg10[%mul3A_12, %dma_wait3A_22] : memref<10112x128xf32, #tpu.memory_space<vmem_shared>> -> memref<632x128xf32, #tpu.memory_space<vmem_shared>>
      tpu.wait_dma2 semaphore(%run_scoped3A : memref<!tpu.dma_semaphore, #tpu.memory_space<semaphore_mem>>) src(%dma_wait3A_23 : memref<632x128xf32, #tpu.memory_space<vmem_shared>>) dst(%dma_wait3A_21 : memref<632x128xf32, #tpu.memory_space<hbm>>)
      tpu.yield
    }) : () -> ()
    return
  }
}

module attributes {stable_mosaic.version = 14 : i64} {
  func.func @_dense_a_body(%arg0: i32, %arg1: memref<1x2000x128xf32, #tpu.memory_space<vmem>>, %arg2: memref<1x2000x128xf32, #tpu.memory_space<vmem>>, %arg3: memref<2000x128xf32, #tpu.memory_space<vmem>>, %arg4: memref<128x128xf32, #tpu.memory_space<vmem>>, %arg5: memref<128x128xf32, #tpu.memory_space<vmem>>, %arg6: memref<1x128xf32, #tpu.memory_space<vmem>>, %arg7: memref<2000x128xf32, #tpu.memory_space<vmem>>, %arg8: memref<2x128xf32, #tpu.memory_space<vmem>>) attributes {dimension_semantics = [#tpu.dimension_semantics<arbitrary>], iteration_bounds = array<i64: 5>, scalar_prefetch = 0 : i64, scratch_operands = 0 : i64, tpu.core_type = #tpu.core_type<tc>, window_params = [{transform_indices = @transform_0, window_bounds = array<i64: 1, 2000, 128>}, {transform_indices = @transform_1, window_bounds = array<i64: 1, 2000, 128>}, {transform_indices = @transform_2, window_bounds = array<i64: 2000, 128>}, {pipeline_mode = #tpu.pipeline_mode<synchronous>, transform_indices = @transform_3, window_bounds = array<i64: 128, 128>}, {pipeline_mode = #tpu.pipeline_mode<synchronous>, transform_indices = @transform_4, window_bounds = array<i64: 128, 128>}, {pipeline_mode = #tpu.pipeline_mode<synchronous>, transform_indices = @transform_5, window_bounds = array<i64: 1, 128>}, {transform_indices = @transform_6, window_bounds = array<i64: 2000, 128>}, {pipeline_mode = #tpu.pipeline_mode<synchronous>, transform_indices = @transform_7, window_bounds = array<i64: 2, 128>}]} {
    %get3A = arith.constant 0 : index
    %get3A_0 = arith.constant 0 : index
    %get3A_1 = arith.constant 0 : index
    %get3A_2 = vector.load %arg1[%get3A, %get3A_0, %get3A_1] : memref<1x2000x128xf32, #tpu.memory_space<vmem>>, vector<1x2000x128xf32>
    %get3A_3 = vector.shape_cast %get3A_2 : vector<1x2000x128xf32> to vector<2000x128xf32>
    %get3A_4 = arith.constant 0 : index
    %get3A_5 = arith.constant 0 : index
    %get3A_6 = arith.constant 0 : index
    %get3A_7 = vector.load %arg2[%get3A_4, %get3A_5, %get3A_6] : memref<1x2000x128xf32, #tpu.memory_space<vmem>>, vector<1x2000x128xf32>
    %get3A_8 = vector.shape_cast %get3A_7 : vector<1x2000x128xf32> to vector<2000x128xf32>
    %add3A = arith.addf %get3A_3, %get3A_8 : vector<2000x128xf32>
    %get3A_9 = arith.constant 0 : index
    %get3A_10 = arith.constant 0 : index
    %get3A_11 = vector.load %arg3[%get3A_9, %get3A_10] : memref<2000x128xf32, #tpu.memory_space<vmem>>, vector<2000x128xf32>
    %get3A_12 = arith.constant 0 : index
    %get3A_13 = arith.constant 0 : index
    %get3A_14 = vector.load %arg4[%get3A_12, %get3A_13] : memref<128x128xf32, #tpu.memory_space<vmem>>, vector<128x128xf32>
    %dot_general3A = arith.constant dense<0.000000e+00> : vector<2000x128xf32>
    %dot_general3A_15 = tpu.matmul %add3A, %get3A_14, %dot_general3A {dimension_numbers = #tpu.dot_dimension_numbers<[1], [0], [0], [1], [0, 0, 1, 1], [], []>, transpose_lhs_hint = false} : vector<2000x128xf32>, vector<128x128xf32>, vector<2000x128xf32> -> vector<2000x128xf32>
    %get3A_16 = arith.constant 0 : index
    %get3A_17 = arith.constant 0 : index
    %get3A_18 = vector.load %arg5[%get3A_16, %get3A_17] : memref<128x128xf32, #tpu.memory_space<vmem>>, vector<128x128xf32>
    %dot_general3A_19 = arith.constant dense<0.000000e+00> : vector<2000x128xf32>
    %dot_general3A_20 = tpu.matmul %get3A_11, %get3A_18, %dot_general3A_19 {dimension_numbers = #tpu.dot_dimension_numbers<[1], [0], [0], [1], [0, 0, 1, 1], [], []>, transpose_lhs_hint = false} : vector<2000x128xf32>, vector<128x128xf32>, vector<2000x128xf32> -> vector<2000x128xf32>
    %add3A_21 = arith.addf %dot_general3A_15, %dot_general3A_20 : vector<2000x128xf32>
    %get3A_22 = arith.constant 0 : index
    %get3A_23 = arith.constant 0 : index
    %get3A_24 = vector.load %arg6[%get3A_22, %get3A_23] : memref<1x128xf32, #tpu.memory_space<vmem>>, vector<1x128xf32>
    %add3A_25 = vector.broadcast %get3A_24 : vector<1x128xf32> to vector<2000x128xf32>
    %add3A_26 = arith.addf %add3A_21, %add3A_25 : vector<2000x128xf32>
    %swap3A = arith.constant 0 : index
    %swap3A_27 = arith.constant 0 : index
    %swap3A_28 = vector.load %arg7[%swap3A, %swap3A_27] : memref<2000x128xf32, #tpu.memory_space<vmem>>, vector<2000x128xf32>
    tpu.vector_store %arg7[%swap3A, %swap3A_27], %add3A_26 {strides = array<i32>} : memref<2000x128xf32, #tpu.memory_space<vmem>>, vector<2000x128xf32>,
    %eq3A = arith.constant 0 : i32
    %eq3A_29 = arith.cmpi eq, %arg0, %eq3A : i32
    %convert_element_type3A = arith.extui %eq3A_29 : i1 to i32
    %cond3A = arith.constant 0 : i32
    %cond3A_30 = arith.cmpi ne, %convert_element_type3A, %cond3A : i32
    scf.if %cond3A_30 {
      %broadcast_in_dim3A_49 = arith.constant 0.000000e+00 : f32
      %broadcast_in_dim3A_50 = vector.broadcast %broadcast_in_dim3A_49 : f32 to vector<2x128xf32>
      %swap3A_51 = arith.constant 0 : index
      %swap3A_52 = arith.constant 0 : index
      %swap3A_53 = vector.load %arg8[%swap3A_51, %swap3A_52] : memref<2x128xf32, #tpu.memory_space<vmem>>, vector<2x128xf32>
      tpu.vector_store %arg8[%swap3A_51, %swap3A_52], %broadcast_in_dim3A_50 {strides = array<i32>} : memref<2x128xf32, #tpu.memory_space<vmem>>, vector<2x128xf32>,
    } else {
    }
    %get3A_31 = arith.constant 0 : index
    %get3A_32 = arith.constant 0 : index
    %get3A_33 = vector.load %arg8[%get3A_31, %get3A_32] : memref<2x128xf32, #tpu.memory_space<vmem>>, vector<1x128xf32>
    %reduce_sum3A = arith.constant dense<0.000000e+00> : vector<128xf32>
    %reduce_sum3A_34 = vector.multi_reduction <add>, %add3A_26, %reduce_sum3A [0] : vector<2000x128xf32> to vector<128xf32>
    %broadcast_in_dim3A = vector.shape_cast %reduce_sum3A_34 : vector<128xf32> to vector<1x128xf32>
    %add3A_35 = arith.addf %get3A_33, %broadcast_in_dim3A : vector<1x128xf32>
    %swap3A_36 = arith.constant 0 : index
    %swap3A_37 = arith.constant 0 : index
    %swap3A_38 = vector.load %arg8[%swap3A_36, %swap3A_37] : memref<2x128xf32, #tpu.memory_space<vmem>>, vector<1x128xf32>
    tpu.vector_store %arg8[%swap3A_36, %swap3A_37], %add3A_35 {strides = array<i32>} : memref<2x128xf32, #tpu.memory_space<vmem>>, vector<1x128xf32>,
    %get3A_39 = arith.constant 1 : index
    %get3A_40 = arith.constant 0 : index
    %get3A_41 = vector.load %arg8[%get3A_39, %get3A_40] : memref<2x128xf32, #tpu.memory_space<vmem>>, vector<1x128xf32>
    %mul3A = arith.mulf %add3A_26, %add3A_26 : vector<2000x128xf32>
    %reduce_sum3A_42 = arith.constant dense<0.000000e+00> : vector<128xf32>
    %reduce_sum3A_43 = vector.multi_reduction <add>, %mul3A, %reduce_sum3A_42 [0] : vector<2000x128xf32> to vector<128xf32>
    %broadcast_in_dim3A_44 = vector.shape_cast %reduce_sum3A_43 : vector<128xf32> to vector<1x128xf32>
    %add3A_45 = arith.addf %get3A_41, %broadcast_in_dim3A_44 : vector<1x128xf32>
    %swap3A_46 = arith.constant 1 : index
    %swap3A_47 = arith.constant 0 : index
    %swap3A_48 = vector.load %arg8[%swap3A_46, %swap3A_47] : memref<2x128xf32, #tpu.memory_space<vmem>>, vector<1x128xf32>
    tpu.vector_store %arg8[%swap3A_46, %swap3A_47], %add3A_45 {strides = array<i32>} : memref<2x128xf32, #tpu.memory_space<vmem>>, vector<1x128xf32>,
    return
  }
  func.func @transform_0(%arg0: i32) -> (i32, i32, i32) {
    %c0_i32 = arith.constant 0 : i32
    %c0_i32_0 = arith.constant 0 : i32
    %c0_i32_1 = arith.constant 0 : i32
    return %c0_i32, %arg0, %c0_i32_0 : i32, i32, i32
  }
  func.func @transform_1(%arg0: i32) -> (i32, i32, i32) {
    %c1_i32 = arith.constant 1 : i32
    %c0_i32 = arith.constant 0 : i32
    %c0_i32_0 = arith.constant 0 : i32
    return %c1_i32, %arg0, %c0_i32 : i32, i32, i32
  }
  func.func @transform_2(%arg0: i32) -> (i32, i32) {
    %c0_i32 = arith.constant 0 : i32
    %c0_i32_0 = arith.constant 0 : i32
    return %arg0, %c0_i32 : i32, i32
  }
  func.func @transform_3(%arg0: i32) -> (i32, i32) {
    %c0_i32 = arith.constant 0 : i32
    %c0_i32_0 = arith.constant 0 : i32
    %c0_i32_1 = arith.constant 0 : i32
    return %c0_i32, %c0_i32_0 : i32, i32
  }
  func.func @transform_4(%arg0: i32) -> (i32, i32) {
    %c0_i32 = arith.constant 0 : i32
    %c0_i32_0 = arith.constant 0 : i32
    %c0_i32_1 = arith.constant 0 : i32
    return %c0_i32, %c0_i32_0 : i32, i32
  }
  func.func @transform_5(%arg0: i32) -> (i32, i32) {
    %c0_i32 = arith.constant 0 : i32
    %c0_i32_0 = arith.constant 0 : i32
    %c0_i32_1 = arith.constant 0 : i32
    return %c0_i32, %c0_i32_0 : i32, i32
  }
  func.func @transform_6(%arg0: i32) -> (i32, i32) {
    %c0_i32 = arith.constant 0 : i32
    %c0_i32_0 = arith.constant 0 : i32
    return %arg0, %c0_i32 : i32, i32
  }
  func.func @transform_7(%arg0: i32) -> (i32, i32) {
    %c0_i32 = arith.constant 0 : i32
    %c0_i32_0 = arith.constant 0 : i32
    %c0_i32_1 = arith.constant 0 : i32
    return %c0_i32, %c0_i32_0 : i32, i32
  }
}

module attributes {stable_mosaic.version = 14 : i64} {
  func.func @_dense_b_body(%arg0: i32, %arg1: memref<2000x128xf32, #tpu.memory_space<vmem>>, %arg2: memref<2x128xf32, #tpu.memory_space<vmem>>, %arg3: memref<1x128xf32, #tpu.memory_space<vmem>>, %arg4: memref<1x128xf32, #tpu.memory_space<vmem>>, %arg5: memref<2000x128xf32, #tpu.memory_space<vmem>>) attributes {dimension_semantics = [#tpu.dimension_semantics<arbitrary>], iteration_bounds = array<i64: 5>, scalar_prefetch = 0 : i64, scratch_operands = 0 : i64, tpu.core_type = #tpu.core_type<tc>, window_params = [{transform_indices = @transform_0, window_bounds = array<i64: 2000, 128>}, {pipeline_mode = #tpu.pipeline_mode<synchronous>, transform_indices = @transform_1, window_bounds = array<i64: 2, 128>}, {pipeline_mode = #tpu.pipeline_mode<synchronous>, transform_indices = @transform_2, window_bounds = array<i64: 1, 128>}, {pipeline_mode = #tpu.pipeline_mode<synchronous>, transform_indices = @transform_3, window_bounds = array<i64: 1, 128>}, {transform_indices = @transform_4, window_bounds = array<i64: 2000, 128>}]} {
    %get3A = arith.constant 0 : index
    %get3A_0 = arith.constant 0 : index
    %get3A_1 = vector.load %arg2[%get3A, %get3A_0] : memref<2x128xf32, #tpu.memory_space<vmem>>, vector<1x128xf32>
    %div3A = arith.constant 1.000000e+04 : f32
    %div3A_2 = vector.broadcast %div3A : f32 to vector<1x128xf32>
    %div3A_3 = arith.divf %get3A_1, %div3A_2 : vector<1x128xf32>
    %get3A_4 = arith.constant 1 : index
    %get3A_5 = arith.constant 0 : index
    %get3A_6 = vector.load %arg2[%get3A_4, %get3A_5] : memref<2x128xf32, #tpu.memory_space<vmem>>, vector<1x128xf32>
    %div3A_7 = arith.constant 1.000000e+04 : f32
    %div3A_8 = vector.broadcast %div3A_7 : f32 to vector<1x128xf32>
    %div3A_9 = arith.divf %get3A_6, %div3A_8 : vector<1x128xf32>
    %mul3A = arith.mulf %div3A_3, %div3A_3 : vector<1x128xf32>
    %sub3A = arith.subf %div3A_9, %mul3A : vector<1x128xf32>
    %add3A = arith.constant 9.99999974E-6 : f32
    %add3A_10 = vector.broadcast %add3A : f32 to vector<1x128xf32>
    %add3A_11 = arith.addf %sub3A, %add3A_10 : vector<1x128xf32>
    %rsqrt3A = math.rsqrt %add3A_11 : vector<1x128xf32>
    %get3A_12 = arith.constant 0 : index
    %get3A_13 = arith.constant 0 : index
    %get3A_14 = vector.load %arg1[%get3A_12, %get3A_13] : memref<2000x128xf32, #tpu.memory_space<vmem>>, vector<2000x128xf32>
    %sub3A_15 = vector.broadcast %div3A_3 : vector<1x128xf32> to vector<2000x128xf32>
    %sub3A_16 = arith.subf %get3A_14, %sub3A_15 : vector<2000x128xf32>
    %mul3A_17 = vector.broadcast %rsqrt3A : vector<1x128xf32> to vector<2000x128xf32>
    %mul3A_18 = arith.mulf %sub3A_16, %mul3A_17 : vector<2000x128xf32>
    %get3A_19 = arith.constant 0 : index
    %get3A_20 = arith.constant 0 : index
    %get3A_21 = vector.load %arg3[%get3A_19, %get3A_20] : memref<1x128xf32, #tpu.memory_space<vmem>>, vector<1x128xf32>
    %mul3A_22 = vector.broadcast %get3A_21 : vector<1x128xf32> to vector<2000x128xf32>
    %mul3A_23 = arith.mulf %mul3A_18, %mul3A_22 : vector<2000x128xf32>
    %get3A_24 = arith.constant 0 : index
    %get3A_25 = arith.constant 0 : index
    %get3A_26 = vector.load %arg4[%get3A_24, %get3A_25] : memref<1x128xf32, #tpu.memory_space<vmem>>, vector<1x128xf32>
    %add3A_27 = vector.broadcast %get3A_26 : vector<1x128xf32> to vector<2000x128xf32>
    %add3A_28 = arith.addf %mul3A_23, %add3A_27 : vector<2000x128xf32>
    %max3A = arith.constant 0.000000e+00 : f32
    %max3A_29 = vector.broadcast %max3A : f32 to vector<2000x128xf32>
    %max3A_30 = arith.maximumf %add3A_28, %max3A_29 : vector<2000x128xf32>
    %swap3A = arith.constant 0 : index
    %swap3A_31 = arith.constant 0 : index
    %swap3A_32 = vector.load %arg5[%swap3A, %swap3A_31] : memref<2000x128xf32, #tpu.memory_space<vmem>>, vector<2000x128xf32>
    tpu.vector_store %arg5[%swap3A, %swap3A_31], %max3A_30 {strides = array<i32>} : memref<2000x128xf32, #tpu.memory_space<vmem>>, vector<2000x128xf32>,
    return
  }
  func.func @transform_0(%arg0: i32) -> (i32, i32) {
    %c0_i32 = arith.constant 0 : i32
    %c0_i32_0 = arith.constant 0 : i32
    return %arg0, %c0_i32 : i32, i32
  }
  func.func @transform_1(%arg0: i32) -> (i32, i32) {
    %c0_i32 = arith.constant 0 : i32
    %c0_i32_0 = arith.constant 0 : i32
    %c0_i32_1 = arith.constant 0 : i32
    return %c0_i32, %c0_i32_0 : i32, i32
  }
  func.func @transform_2(%arg0: i32) -> (i32, i32) {
    %c0_i32 = arith.constant 0 : i32
    %c0_i32_0 = arith.constant 0 : i32
    %c0_i32_1 = arith.constant 0 : i32
    return %c0_i32, %c0_i32_0 : i32, i32
  }
  func.func @transform_3(%arg0: i32) -> (i32, i32) {
    %c0_i32 = arith.constant 0 : i32
    %c0_i32_0 = arith.constant 0 : i32
    %c0_i32_1 = arith.constant 0 : i32
    return %c0_i32, %c0_i32_0 : i32, i32
  }
  func.func @transform_4(%arg0: i32) -> (i32, i32) {
    %c0_i32 = arith.constant 0 : i32
    %c0_i32_0 = arith.constant 0 : i32
    return %arg0, %c0_i32 : i32, i32
  }
}

module attributes {stable_mosaic.version = 14 : i64} {
  func.func @_pool_body(%arg0: i32, %arg1: memref<2000x128xf32, #tpu.memory_space<vmem>>, %arg2: memref<1x1x2000xi32, #tpu.memory_space<vmem>>, %arg3: memref<128x128xf32, #tpu.memory_space<vmem>>, %arg4: memref<1x128xf32, #tpu.memory_space<vmem>>, %arg5: memref<64x128xf32, #tpu.memory_space<vmem>>, %arg6: memref<64x128xf32, #tpu.memory_space<vmem>>, %arg7: memref<64x1xf32, #tpu.memory_space<vmem>>) attributes {dimension_semantics = [#tpu.dimension_semantics<arbitrary>], iteration_bounds = array<i64: 5>, scalar_prefetch = 0 : i64, scratch_operands = 2 : i64, tpu.core_type = #tpu.core_type<tc>, window_params = [{transform_indices = @transform_0, window_bounds = array<i64: 2000, 128>}, {transform_indices = @transform_1, window_bounds = array<i64: 1, 1, 2000>}, {pipeline_mode = #tpu.pipeline_mode<synchronous>, transform_indices = @transform_2, window_bounds = array<i64: 128, 128>}, {pipeline_mode = #tpu.pipeline_mode<synchronous>, transform_indices = @transform_3, window_bounds = array<i64: 1, 128>}, {pipeline_mode = #tpu.pipeline_mode<synchronous>, transform_indices = @transform_4, window_bounds = array<i64: 64, 128>}]} {
    %eq3A = arith.constant 0 : i32
    %eq3A_0 = arith.cmpi eq, %arg0, %eq3A : i32
    %convert_element_type3A = arith.extui %eq3A_0 : i1 to i32
    %cond3A = arith.constant 0 : i32
    %cond3A_1 = arith.cmpi ne, %convert_element_type3A, %cond3A : i32
    scf.if %cond3A_1 {
      %broadcast_in_dim3A_32 = arith.constant 0.000000e+00 : f32
      %broadcast_in_dim3A_33 = vector.broadcast %broadcast_in_dim3A_32 : f32 to vector<64x128xf32>
      %swap3A_34 = arith.constant 0 : index
      %swap3A_35 = arith.constant 0 : index
      %swap3A_36 = vector.load %arg6[%swap3A_34, %swap3A_35] : memref<64x128xf32, #tpu.memory_space<vmem>>, vector<64x128xf32>
      tpu.vector_store %arg6[%swap3A_34, %swap3A_35], %broadcast_in_dim3A_33 {strides = array<i32>} : memref<64x128xf32, #tpu.memory_space<vmem>>, vector<64x128xf32>,
      %broadcast_in_dim3A_37 = arith.constant 0.000000e+00 : f32
      %broadcast_in_dim3A_38 = vector.broadcast %broadcast_in_dim3A_37 : f32 to vector<64x1xf32>
      %swap3A_39 = arith.constant 0 : index
      %swap3A_40 = arith.constant 0 : index
      %swap3A_41 = vector.load %arg7[%swap3A_39, %swap3A_40] : memref<64x1xf32, #tpu.memory_space<vmem>>, vector<64x1xf32>
      tpu.vector_store %arg7[%swap3A_39, %swap3A_40], %broadcast_in_dim3A_38 {strides = array<i32>} : memref<64x1xf32, #tpu.memory_space<vmem>>, vector<64x1xf32>,
    } else {
    }
    %get3A = arith.constant 0 : index
    %get3A_2 = arith.constant 0 : index
    %get3A_3 = arith.constant 0 : index
    %get3A_4 = vector.load %arg2[%get3A, %get3A_2, %get3A_3] : memref<1x1x2000xi32, #tpu.memory_space<vmem>>, vector<1x1x2000xi32>
    %get3A_5 = vector.shape_cast %get3A_4 : vector<1x1x2000xi32> to vector<1x2000xi32>
    %get3A_6 = arith.constant 0 : index
    %get3A_7 = arith.constant 0 : index
    %get3A_8 = vector.load %arg1[%get3A_6, %get3A_7] : memref<2000x128xf32, #tpu.memory_space<vmem>>, vector<2000x128xf32>
    %iota3A = tpu.iota {dimensions = array<i32: 0>} : vector<64x2000xi32>
    %eq3A_9 = vector.broadcast %get3A_5 : vector<1x2000xi32> to vector<64x2000xi32>
    %eq3A_10 = arith.cmpi eq, %iota3A, %eq3A_9 : vector<64x2000xi32>
    %convert_element_type3A_11 = arith.extui %eq3A_10 : vector<64x2000xi1> to vector<64x2000xi32>
    %convert_element_type3A_12 = arith.sitofp %convert_element_type3A_11 : vector<64x2000xi32> to vector<64x2000xf32>
    %get3A_13 = arith.constant 0 : index
    %get3A_14 = arith.constant 0 : index
    %get3A_15 = vector.load %arg6[%get3A_13, %get3A_14] : memref<64x128xf32, #tpu.memory_space<vmem>>, vector<64x128xf32>
    %dot_general3A = arith.constant dense<0.000000e+00> : vector<64x128xf32>
    %dot_general3A_16 = tpu.matmul %convert_element_type3A_12, %get3A_8, %dot_general3A {dimension_numbers = #tpu.dot_dimension_numbers<[1], [0], [0], [1], [0, 0, 1, 1], [], []>, transpose_lhs_hint = false} : vector<64x2000xf32>, vector<2000x128xf32>, vector<64x128xf32> -> vector<64x128xf32>
    %add3A = arith.addf %get3A_15, %dot_general3A_16 : vector<64x128xf32>
    %swap3A = arith.constant 0 : index
    %swap3A_17 = arith.constant 0 : index
    %swap3A_18 = vector.load %arg6[%swap3A, %swap3A_17] : memref<64x128xf32, #tpu.memory_space<vmem>>, vector<64x128xf32>
    tpu.vector_store %arg6[%swap3A, %swap3A_17], %add3A {strides = array<i32>} : memref<64x128xf32, #tpu.memory_space<vmem>>, vector<64x128xf32>,
    %get3A_19 = arith.constant 0 : index
    %get3A_20 = arith.constant 0 : index
    %get3A_21 = vector.load %arg7[%get3A_19, %get3A_20] : memref<64x1xf32, #tpu.memory_space<vmem>>, vector<64x1xf32>
    %reduce_sum3A = arith.constant dense<0.000000e+00> : vector<64xf32>
    %reduce_sum3A_22 = vector.multi_reduction <add>, %convert_element_type3A_12, %reduce_sum3A [1] : vector<64x2000xf32> to vector<64xf32>
    %broadcast_in_dim3A = vector.shape_cast %reduce_sum3A_22 : vector<64xf32> to vector<64x1xf32>
    %add3A_23 = arith.addf %get3A_21, %broadcast_in_dim3A : vector<64x1xf32>
    %swap3A_24 = arith.constant 0 : index
    %swap3A_25 = arith.constant 0 : index
    %swap3A_26 = vector.load %arg7[%swap3A_24, %swap3A_25] : memref<64x1xf32, #tpu.memory_space<vmem>>, vector<64x1xf32>
    tpu.vector_store %arg7[%swap3A_24, %swap3A_25], %add3A_23 {strides = array<i32>} : memref<64x1xf32, #tpu.memory_space<vmem>>, vector<64x1xf32>,
    %eq3A_27 = arith.constant 4 : i32
    %eq3A_28 = arith.cmpi eq, %arg0, %eq3A_27 : i32
    %convert_element_type3A_29 = arith.extui %eq3A_28 : i1 to i32
    %cond3A_30 = arith.constant 0 : i32
    %cond3A_31 = arith.cmpi ne, %convert_element_type3A_29, %cond3A_30 : i32
    scf.if %cond3A_31 {
      %get3A_32 = arith.constant 0 : index
      %get3A_33 = arith.constant 0 : index
      %get3A_34 = vector.load %arg6[%get3A_32, %get3A_33] : memref<64x128xf32, #tpu.memory_space<vmem>>, vector<64x128xf32>
      %get3A_35 = arith.constant 0 : index
      %get3A_36 = arith.constant 0 : index
      %get3A_37 = vector.load %arg7[%get3A_35, %get3A_36] : memref<64x1xf32, #tpu.memory_space<vmem>>, vector<64x1xf32>
      %jit3A = arith.constant 1.000000e+00 : f32
      %max3A = vector.broadcast %jit3A : f32 to vector<64x1xf32>
      %max3A_38 = arith.maximumf %max3A, %get3A_37 : vector<64x1xf32>
      %div3A = vector.broadcast %max3A_38 : vector<64x1xf32> to vector<64x128xf32>
      %div3A_39 = arith.divf %get3A_34, %div3A : vector<64x128xf32>
      %get3A_40 = arith.constant 0 : index
      %get3A_41 = arith.constant 0 : index
      %get3A_42 = vector.load %arg3[%get3A_40, %get3A_41] : memref<128x128xf32, #tpu.memory_space<vmem>>, vector<128x128xf32>
      %dot_general3A_43 = arith.constant dense<0.000000e+00> : vector<64x128xf32>
      %dot_general3A_44 = tpu.matmul %div3A_39, %get3A_42, %dot_general3A_43 {dimension_numbers = #tpu.dot_dimension_numbers<[1], [0], [0], [1], [0, 0, 1, 1], [], []>, transpose_lhs_hint = false} : vector<64x128xf32>, vector<128x128xf32>, vector<64x128xf32> -> vector<64x128xf32>
      %get3A_45 = arith.constant 0 : index
      %get3A_46 = arith.constant 0 : index
      %get3A_47 = vector.load %arg4[%get3A_45, %get3A_46] : memref<1x128xf32, #tpu.memory_space<vmem>>, vector<1x128xf32>
      %add3A_48 = vector.broadcast %get3A_47 : vector<1x128xf32> to vector<64x128xf32>
      %add3A_49 = arith.addf %dot_general3A_44, %add3A_48 : vector<64x128xf32>
      %swap3A_50 = arith.constant 0 : index
      %swap3A_51 = arith.constant 0 : index
      %swap3A_52 = vector.load %arg5[%swap3A_50, %swap3A_51] : memref<64x128xf32, #tpu.memory_space<vmem>>, vector<64x128xf32>
      tpu.vector_store %arg5[%swap3A_50, %swap3A_51], %add3A_49 {strides = array<i32>} : memref<64x128xf32, #tpu.memory_space<vmem>>, vector<64x128xf32>,
    } else {
    }
    return
  }
  func.func @transform_0(%arg0: i32) -> (i32, i32) {
    %c0_i32 = arith.constant 0 : i32
    %c0_i32_0 = arith.constant 0 : i32
    return %arg0, %c0_i32 : i32, i32
  }
  func.func @transform_1(%arg0: i32) -> (i32, i32, i32) {
    %c0_i32 = arith.constant 0 : i32
    %c0_i32_0 = arith.constant 0 : i32
    %c0_i32_1 = arith.constant 0 : i32
    return %arg0, %c0_i32, %c0_i32_0 : i32, i32, i32
  }
  func.func @transform_2(%arg0: i32) -> (i32, i32) {
    %c0_i32 = arith.constant 0 : i32
    %c0_i32_0 = arith.constant 0 : i32
    %c0_i32_1 = arith.constant 0 : i32
    return %c0_i32, %c0_i32_0 : i32, i32
  }
  func.func @transform_3(%arg0: i32) -> (i32, i32) {
    %c0_i32 = arith.constant 0 : i32
    %c0_i32_0 = arith.constant 0 : i32
    %c0_i32_1 = arith.constant 0 : i32
    return %c0_i32, %c0_i32_0 : i32, i32
  }
  func.func @transform_4(%arg0: i32) -> (i32, i32) {
    %c0_i32 = arith.constant 0 : i32
    %c0_i32_0 = arith.constant 0 : i32
    %c0_i32_1 = arith.constant 0 : i32
    return %c0_i32, %c0_i32_0 : i32, i32
  }
}

</mosaic_0001>

<sc_bundles>
// kernel: kernel.12.cloned.1.call-start
scs
__scs_entry_jumppad:
0x0: {  	(pc) =	sbr.rel $0x88, $3  }
0x1: {  	(tag) =	ssettag $0x0;
	lr =	simm.s32 $0x1  }
0x2: {  	[smem:$0x3F8D] =	sst lr;
	_ =	strace $0xD0000000  }
0x3: {  	_ = 	snop  }
0x4: {  	_ = 	snop  }
0x5: {  	_ = 	snop  }
0x6: {  	_ = 	snop  }
0x7: {  	_ = 	snop  }
__scs_overlays_trampoline_lowered:
0x8: {  	[smem:$0x3F9C] =	sst s0  }
0x9: {  	[smem:$0x3F9D] =	sst s1  }
0xa: {  	[smem:$0x3F9E] =	sst s2  }
0xb: {  	[smem:$0x3F9F] =	sst s3  }
0xc: {  	[smem:$0x3FA0] =	sst s4  }
0xd: {  	[smem:$0x3FA1] =	sst s5  }
0xe: {  	[smem:$0x3FA2] =	sst s6  }
0xf: {  	[smem:$0x3FA3] =	sst s7  }
0x10: {  	[smem:$0x3FA4] =	sst s8  }
0x11: {  	[smem:$0x3FA5] =	sst s9;
	s0 =	simm.s32 @!p0 $0x0  }
0x12: {  	s1 =	sld [smem:$0x3F8B];
	s0 =	simm.s32 @p0 $0x1  }
0x13: {  	[smem:$0x3FA6] =	sst s0;
	s0 =	simm.s32 @!p1 $0x0  }
0x14: {  	s2 =	sld [smem:$0x3F8A];
	s0 =	simm.s32 @p1 $0x1  }
0x15: {  	[smem:$0x3FA7] =	sst s0;
	s0 =	simm.s32 @!p2 $0x0  }
0x16: {  	s3 =	sld [smem:$0x3FDB];
	s0 =	simm.s32 @p2 $0x1  }
0x17: {  	s4 =	simm.s32 $0x1BF5;
	[smem:$0x3FA9] =	sst s0  }
0x18: {  	s0 =	sld [smem:$0x3F8C];
	_ =	swait.ge [sflag:s4], $0x0  }
0x19: {  	s7 =	sld [smem:$0x3F8D]  }
0x1a: {  	s8 =	sadd.s32 $0xFFFFE003, lr  }
0x1b: {  	s9 =	sadd.s32 $0xFFFFFEF7, lr;
	s5 =	simm.s32 $0xFFFFFFFF;
	p2 =	slt.u32 s8, $0xFFFFF086  }
0x1c: {  	p1 =	slt.u32 s9, $0xF7A;
	s5 =	simm.s32 @!p2 $0x0  }
0x1d: {  	s5 =	simm.s32 @p1 $0x1;
	p0 =	seq.s32 s7, s2  }
0x1e: {  	s7 =	smul.u32 @!p0 $0xF7A, s2;
	p2 =	seq.s32 @!p0 s5, $0x0  }
0x1f: {  	s9 =	smul.u32 $0xF7A, s1;
	s8 =	simm.s32 @!p0 $0x1BF5;
	p2 =	por !p2, p0  }
0x20: {  	[sflag:s8] =	ssyncset.s32 @!p0 $0xFFFFF086;
	s6 =	sadd.s32 @!p0 s3, s7;
	s7 =	simm.s32 @!p0 $0x108  }
0x21: {  	s3 =	sadd.s32 s3, s9;
	s6 =	sadd.s32 @!p0 $0x88, s6;
	s7 =	simm.s32 @p2 $0x1082  }
0x22: {  	[simem:s7], [sflag:s8] =	dma.local @!p0 [hbm:s6], $0xF7A  }
0x23: {  	s9 =	sor.u32 $0xD0000000, s2;
	s6 =	simm.s32 $0x108;
	_ =	swait.ge @!p0 [sflag:s8], $0x0  }
0x24: {  	s3 =	sadd.s32 $0x88, s3;
	s6 =	simm.s32 @!p1 $0x1082;
	[sflag:s4] =	ssyncset.s32 $0xFFFFF086  }
0x25: {  	[simem:s6], [sflag:s4] =	dma.local [hbm:s3], $0xF7A  }
0x26: {  	[smem:$0x3F8D] =	sst s1;
	(tag) =	ssettag s2;
	_ =	strace s9  }
0x27: {  	s1 =	sld [smem:$0x3F9D]  }
0x28: {  	s2 =	sld [smem:$0x3F9E]  }
0x29: {  	s4 =	sld [smem:$0x3FA0]  }
0x2a: {  	p0 =	seq.s32 s5, $0x0;
	s5 =	sld [smem:$0x3FA1]  }
0x2b: {  	s6 =	sld [smem:$0x3FA2]  }
0x2c: {  	s7 =	sld [smem:$0x3FA3]  }
0x2d: {  	s3 =	simm.s32 $0x108;
	s8 =	sld [smem:$0x3FA4]  }
0x2e: {  	s3 =	simm.s32 @!p0 $0x1082;
	s9 =	sld [smem:$0x3FA5]  }
0x2f: {  	lr =	sadd.s32 s0, s3;
	s0 =	sld [smem:$0x3F9C]  }
0x30: {  	s3 =	sld [smem:$0x3F9F]  }
0x31: {  	[smem:$0x3FA8] =	sst s10  }
0x32: {  	s10 =	sld [smem:$0x3FA6];
	_ =	sdelay $0x3  }
0x33: {  	p0 =	seq.s32 s10, $0x1;
	s10 =	sld [smem:$0x3FA8];
	_ =	sdelay $0x3  }
0x34: {  	[smem:$0x3FA8] =	sst s10  }
0x35: {  	s10 =	sld [smem:$0x3FA7];
	_ =	sdelay $0x3  }
0x36: {  	p1 =	seq.s32 s10, $0x1;
	s10 =	sld [smem:$0x3FA8];
	_ =	sdelay $0x3  }
0x37: {  	[smem:$0x3FA8] =	sst s10  }
0x38: {  	s10 =	sld [smem:$0x3FA9]  }
0x39: {  	_ = 	snop;
	(pc) =	sbr.ind lr, $3  }
0x3a: {  	_ = 	snop  }
0x3b: {  	_ = 	snop  }
0x3c: {  	p2 =	seq.s32 s10, $0x1;
	s10 =	sld [smem:$0x3FA8]  }
0x3d: {  	_ =	shalt  }
0x3e: {  	_ =	shalt  }
0x3f: {  	_ =	shalt  }
0x40: {  	_ =	shalt  }
0x41: {  	_ =	shalt  }
0x42: {  	_ =	shalt  }
0x43: {  	_ =	shalt  }
0x44: {  	_ =	shalt  }
0x45: {  	_ =	shalt  }
0x46: {  	_ =	shalt  }
0x47: {  	_ =	shalt  }
0x48: {  	_ =	shalt  }
0x49: {  	_ =	shalt  }
0x4a: {  	_ =	shalt  }
0x4b: {  	_ =	shalt  }
0x4c: {  	_ =	shalt  }
0x4d: {  	_ =	shalt  }
0x4e: {  	_ =	shalt  }
0x4f: {  	_ =	shalt  }
0x50: {  	_ =	shalt  }
0x51: {  	_ =	shalt  }
0x52: {  	_ =	shalt  }
0x53: {  	_ =	shalt  }
0x54: {  	_ =	shalt  }
0x55: {  	_ =	shalt  }
0x56: {  	_ =	shalt  }
0x57: {  	_ =	shalt  }
0x58: {  	_ =	shalt  }
0x59: {  	_ =	shalt  }
0x5a: {  	_ =	shalt  }
0x5b: {  	_ =	shalt  }
0x5c: {  	_ =	shalt  }
0x5d: {  	_ =	shalt  }
0x5e: {  	_ =	shalt  }
0x5f: {  	_ =	shalt  }
0x60: {  	_ =	shalt  }
0x61: {  	_ =	shalt  }
0x62: {  	_ =	shalt  }
0x63: {  	_ =	shalt  }
0x64: {  	_ =	shalt  }
0x65: {  	_ =	shalt  }
0x66: {  	_ =	shalt  }
0x67: {  	_ =	shalt  }
0x68: {  	_ =	shalt  }
0x69: {  	_ =	shalt  }
0x6a: {  	_ =	shalt  }
0x6b: {  	_ =	shalt  }
0x6c: {  	_ =	shalt  }
0x6d: {  	_ =	shalt  }
0x6e: {  	_ =	shalt  }
0x6f: {  	_ =	shalt  }
0x70: {  	_ =	shalt  }
0x71: {  	_ =	shalt  }
0x72: {  	_ =	shalt  }
0x73: {  	_ =	shalt  }
0x74: {  	_ =	shalt  }
0x75: {  	_ =	shalt  }
0x76: {  	_ =	shalt  }
0x77: {  	_ =	shalt  }
0x78: {  	_ =	shalt  }
0x79: {  	_ =	shalt  }
0x7a: {  	_ =	shalt  }
0x7b: {  	_ =	shalt  }
0x7c: {  	_ =	shalt  }
0x7d: {  	_ =	shalt  }
0x7e: {  	_ =	shalt  }
0x7f: {  	_ =	shalt  }
0x80: {  	_ =	shalt  }
0x81: {  	_ =	shalt  }
0x82: {  	_ =	shalt  }
0x83: {  	_ =	shalt  }
0x84: {  	_ =	shalt  }
0x85: {  	_ =	shalt  }
0x86: {  	_ =	shalt  }
0x87: {  	_ =	shalt  }
.Lfunc_end0:
.L_simem_size_0:
called_computation_lowered:
.L_overlay_start_0:
0x88: {  	s2 =	sld [smem:$0x3FD9]  }
0x89: {  	s3 =	sld [smem:$0x3FFE];
	_ =	sdelay $0x1  }
0x8a: {  	s1 =	srdreg.scid  }
0x8b: {  	s0 =	sand.u32 $0x1, s1  }
0x8c: {  	s17 =	sshll.u32 s0, $0xA;
	s2 =	sadd.s32 s3, s2  }
0x8d: {  	s2 =	sadd.s32 s2, s17  }
0x8e: {  	[smem:$0x3FB4] =	sst s2  }
0x8f: {  	_ = 	snop  }
0x90: {  	s2 =	sld [smem:$0x3FC9];
	(tm) =	ssettm $0x1  }
0x91: {  	s18 =	sld [smem:$0x3FFB];
	_ =	sdelay $0x3  }
0x92: {  	_ =	strace s18  }
0x93: {  	s3 =	sld [smem:$0x3FFC];
	_ =	sdelay $0x3  }
0x94: {  	_ =	strace s3  }
0x95: {  	s3 =	sld [smem:$0x3FFD];
	_ =	sdelay $0x3  }
0x96: {  	_ =	strace s3  }
0x97: {  	_ =	strace $0x8FFFFFFF  }
0x98: {  	s19 =	sld [smem:$0x3FDB];
	_ =	sdelay $0x1  }
0x99: {  	s4 =	simm.s32 $_scs_section_size  }
0x9a: {  	s5 =	simm.s32 $_size__tile_overlayer_lowered;
	s6 =	simm.s32 $_tile_overlayer_lowered  }
0x9b: {  	s22 =	simm.s32 $0x1BFF;
	s21 =	sshll.u32 s6, $0x1;
	s3 =	sadd.s32 s4, s19  }
0x9c: {  	s7 =	simm.s32 $0x0;
	s20 =	sshll.u32 s5, $0x1;
	s5 =	sadd.s32 s21, s3  }
0x9d: {  	[timem:s7], [sflag:s22] =	dma.local [hbm:s5], s20  }
0x9e: {  	_ =	swait.ge [sflag:s22], s20  }
0x9f: {  	s4 =	ssub.s32 $0x0, s20;
	[sflag:s22] =	ssyncset.done $0x0  }
0xa0: {  	[sflag:s22] =	ssyncadd.s32 s4;
	_ =	sdelay $0x1  }
0xa1: {  	s23 =	simm.s32 $0x1B8B  }
0xa2: {  	_ =	swait.ge [sflag:s23], $0x1  }
0xa3: {  	[sflag:s23] =	ssyncset.done $0x0  }
0xa4: {  	s25 =	simm.s32 $0x1B8E;
	s24 =	sld [smem:$0x3FFE];
	[sflag:s23] =	ssyncadd.s32 $0xFFFFFFFF  }
0xa5: {  	s26 =	simm.s32 $execute0_lowered;
	[smem:$0x3FD2] =	sst s25  }
0xa6: {  	s5 =	sshll.u32 s26, $0x1;
	_ =	strace $0x80000046;
	[dreg:$0x1] =	wrdreg $0xFFFFFFFF  }
0xa7: {  	s28 =	simm.s32 $_size_execute0_lowered;
	s3 =	sadd.s32 s3, s5;
	[dreg:$0x0] =	wrdreg $0x0  }
0xa8: {  	s5 =	sshll.u32 s28, $0x1;
	[dreg:$0x2] =	wrdreg s3  }
0xa9: {  	[dreg:$0x3] =	wrdreg s5  }
0xaa: {  	[dreg:$0x4] =	wrdreg $0xC0  }
0xab: {  	_ =	task [dreg:s7], $0x5FFFF  }
0xac: {  	[dreg:$0x1] =	wrdreg $0xFFFFFFFF  }
0xad: {  	[dreg:$0x0] =	wrdreg $0x60  }
0xae: {  	[dreg:$0x2] =	wrdreg s2  }
0xaf: {  	[dreg:$0x3] =	wrdreg s24  }
0xb0: {  	[dreg:$0x4] =	wrdreg $0x41000  }
0xb1: {  	[dreg:$0x5] =	wrdreg $0x9  }
0xb2: {  	_ =	task.clear_ibuf [dreg:s7], $0x6FFFF;
	_ =	strace $0x90000046  }
0xb3: {  	s29 =	simm.s32 $0x9;
	_ =	strace $0x80000048  }
0xb4: {  	_ =	swait.ge [sflag:s29], $0x1  }
0xb5: {  	[sflag:s29] =	ssyncadd.s32 $0xFFFFFFFF  }
0xb6: {  	_ =	strace $0x90000048  }
0xb7: {  	_ =	sfence  }
0xb8: {  	s30 =	sld [smem:$0x0];
	_ =	sdelay $0x2  }
0xb9: {  	s31 =	sshll.u32 s1, $0xD;
	s1 =	sshrl.u32 s1, $0x2  }
0xba: {  	s3 =	sand.u32 $0x4000, s31;
	s1 =	sadd.s32 s1, s30  }
0xbb: {  	s0 =	sor.u32 s3, s0;
	s1 =	sshll.u32 s1, $0x11  }
0xbc: {  	s0 =	sor.u32 s1, s0  }
0xbd: {  	s0 =	sadd.s32 $0x8F2B, s0  }
0xbe: {  	[sflag:s0] =	ssyncadd.remote.s32 $0x1  }
0xbf: {  	_ =	sfence.sel $0xFFFF  }
0xc0: {  	[dreg:$0x0] =	wrdreg $0xFFFFFFFF;
	(pc) =	sbr.abs _section_cstart, $3  }
0xc1: {  	[dreg:$0x1] =	wrdreg $0xFFFFFFFF  }
0xc2: {  	_ =	task.clear_ibuf [dreg:s7], $0x2FFFF;
	_ =	strace $0x9FFFFFFF  }
0xc3: {  	(tm) =	ssettm $0x7FFFFFFF  }
tec
execute0_lowered:
.L_overlay_start_1:
0x0: {  	(tag) =	ssettag $0x1  }
0x1: {  	s0 =	rddreg [dreg:$0x0]  }
0x2: {  	s6 =	rddreg [dreg:$0x1]  }
0x3: {  	s1 =	srdreg.scid;
	s2 =	stileid.u32  }
0x4: {  	s3 =	rddreg [dreg:$0x2];
	s4 =	simm.s32 $0x0;
	s8 =	smul.u32 $0x2780, s2  }
0x5: {  	s14 =	simm.s32 $0x100;
	s15 =	simm.s32 $0x1;
	s29 =	smul.u32 $0x4F000, s2  }
0x6: {  	s7 =	sand.u32 $0x1, s1;
	s1 =	rddreg [dreg:$0x3];
	s11 =	smul.u32 $0x4F0, s2  }
0x7: {  	s16 =	simm.s32 $0x0;
	[smem:$0x7FF] =	sst s4;
	s5 =	smul.u32 $0x4F00, s7  }
0x8: {  	s31 =	sshll.u32 s2, $0x6;
	s9 =	smul.u32 $0x27800, s7;
	s30 =	ssub.s32 $0x2, s7  }
0x9: {  	_ =	strace $0x80000047;
	s7 =	sshrl.u32 s30, $0x1;
	s10 =	sadd.s32 s5, s6  }
0xa: {  	s8 =	sadd.s32 s8, s9;
	s5 =	sadd.s32 $0x17A00, s6;
	s9 =	sshrl.u32 s29, $0x2  }
0xb: {  	s12 =	ssub.s32 s30, s7;
	s8 =	sadd.s32 s8, s6;
	s13 =	sadd.s32 s9, s3  }
0xc: {  	s6 =	sor.u32 $0x1C02, s31;
	s10 =	sadd.s32 s11, s10;
	s7 =	sadd.s32 $0x1A200, s8  }
0xd: {  	s8 =	smax.u32 s12, $0x1;
	s9 =	sadd.s32 $0xDC00, s10;
	s10 =	sadd.s32 $0x3E00, s10  }
0xe: {  	s11 =	sshrl.u32 s13, $0x3;
	s12 =	simm.s32 $0x2;
	s13 =	simm.s32 $0x80  }
.LBB2_1:
0xf: {  	[spmem:s11], [sflag:s6] =	dma.local [hbm:s5], $0x2780  }
0x10: {  	_ =	swait.ge [sflag:s12], $0x2780  }
0x11: {  	[sflag:s12] =	ssyncset.done $0x0  }
0x12: {  	[sflag:s12] =	ssyncadd.s32 $0xFFFFD880  }
0x13: {  	s17 =	sadd.s32 $0x0, s10;
	[bflag:$0x0] =	sbarrier.arrive $0xFFFF  }
0x14: {  	[tilespmem:s4], [sflag:$0x2] =	stream.linear.gather [hbm4b:s17+s4], $0x80, $0x38;
	[tilespmem:$0x17D00] =	vst v63  }
0x15: {  	_ =	swait.ge [sflag:s12], $0x80  }
0x16: {  	[sflag:s12] =	ssyncset.done $0x0  }
0x17: {  	[sflag:s12] =	ssyncadd.s32 $0xFFFFFF80  }
0x18: {  	[tilespmem:s14], [sflag:$0x1] =	stream.indirect.gather [hbm4b:s0+s13], $0x80, s4, s13, $0xb8;
	[tilespmem:$0x17D00] =	vst v63  }
0x19: {  	s31 =	sadd.s32 $0x0, s9  }
0x1a: {  	[tilespmem:s13], [sflag:$0x2] =	stream.linear.gather [hbm4b:s31+s4], $0x80, $0x38;
	[tilespmem:$0x17D00] =	vst v63  }
0x1b: {  	_ =	swait.ge [sflag:s12], $0x80  }
0x1c: {  	[sflag:s12] =	ssyncset.done $0x0  }
0x1d: {  	[sflag:s12] =	ssyncadd.s32 $0xFFFFFF80  }
0x1e: {  	_ =	swait.ge [sflag:s15], $0x4000  }
0x1f: {  	[sflag:s15] =	ssyncset.done $0x0  }
0x20: {  	[sflag:s15] =	ssyncadd.s32 $0xFFFFC000  }
0x21: {  	[spmem:s3] =	stream.indirect.scatter.add.f32 [tilespmem:s14], [sflag:$0x2], $0x80, s13, s13, $0xb8;
	[tilespmem:$0x17D00] =	vst v63  }
0x22: {  	_ =	swait.ge [sflag:s12], $0x4000  }
0x23: {  	s18 =	simm.s32 $0x20;
	s17 =	simm.s32 $0x10;
	[sflag:s12] =	ssyncset.done $0x0  }
.LBB2_2:
0x24: {  	s19 =	sadd.s32 s17, s10  }
0x25: {  	[sflag:s12] =	ssyncadd.s32 $0xFFFFC000;
	s20 =	smov.u32 s18;
	s21 =	sadd.s32 $0x10, s18  }
0x26: {  	[tilespmem:s4], [sflag:$0x2] =	stream.linear.gather [hbm4b:s19+s4], $0x80, $0x38;
	[tilespmem:$0x17D00] =	vst v63  }
0x27: {  	p0 =	sne.s32 s18, $0x4E0;
	_ =	swait.ge [sflag:s12], $0x80  }
0x28: {  	[sflag:s12] =	ssyncset.done $0x0  }
0x29: {  	[sflag:s12] =	ssyncadd.s32 $0xFFFFFF80  }
0x2a: {  	[tilespmem:s14], [sflag:$0x1] =	stream.indirect.gather [hbm4b:s0+s13], $0x80, s4, s13, $0xb8;
	[tilespmem:$0x17D00] =	vst v63  }
0x2b: {  	s18 =	sadd.s32 s17, s9;
	s17 =	smov.u32 s20  }
0x2c: {  	[tilespmem:s13], [sflag:$0x2] =	stream.linear.gather [hbm4b:s18+s4], $0x80, $0x38;
	[tilespmem:$0x17D00] =	vst v63  }
0x2d: {  	_ =	swait.ge [sflag:s12], $0x80  }
0x2e: {  	[sflag:s12] =	ssyncset.done $0x0  }
0x2f: {  	[sflag:s12] =	ssyncadd.s32 $0xFFFFFF80  }
0x30: {  	_ =	swait.ge [sflag:s15], $0x4000  }
.Ltmp0:
0x31: {  	[sflag:s15] =	ssyncset.done $0x0;
	(pc) =	sbr.rel @p0 .LBB2_2-.Ltmp0, $4  }
0x32: {  	[sflag:s15] =	ssyncadd.s32 $0xFFFFC000  }
0x33: {  	[spmem:s3] =	stream.indirect.scatter.add.f32 [tilespmem:s14], [sflag:$0x2], $0x80, s13, s13, $0xb8;
	[tilespmem:$0x17D00] =	vst v63  }
0x34: {  	_ =	swait.ge [sflag:s12], $0x4000  }
0x35: {  	s18 =	smov.u32 s21;
	[sflag:s12] =	ssyncset.done $0x0  }
0x36: {  	s18 =	sadd.s32 s17, s10;
	[sflag:s12] =	ssyncadd.s32 $0xFFFFC000  }
0x37: {  	[tilespmem:s4], [sflag:$0x2] =	stream.linear.gather [hbm4b:s18+s4], $0x80, $0x38;
	[tilespmem:$0x17D00] =	vst v63  }
0x38: {  	_ =	swait.ge [sflag:s12], $0x80  }
0x39: {  	[sflag:s12] =	ssyncset.done $0x0  }
0x3a: {  	[sflag:s12] =	ssyncadd.s32 $0xFFFFFF80  }
0x3b: {  	[tilespmem:s14], [sflag:$0x1] =	stream.indirect.gather [hbm4b:s0+s13], $0x80, s4, s13, $0xb8;
	[tilespmem:$0x17D00] =	vst v63  }
0x3c: {  	s31 =	sadd.s32 s17, s9  }
0x3d: {  	[tilespmem:s13], [sflag:$0x2] =	stream.linear.gather [hbm4b:s31+s4], $0x80, $0x38;
	[tilespmem:$0x17D00] =	vst v63  }
0x3e: {  	_ =	swait.ge [sflag:s12], $0x80  }
0x3f: {  	[sflag:s12] =	ssyncset.done $0x0  }
0x40: {  	[sflag:s12] =	ssyncadd.s32 $0xFFFFFF80  }
0x41: {  	_ =	swait.ge [sflag:s15], $0x4000  }
0x42: {  	[sflag:s15] =	ssyncset.done $0x0  }
0x43: {  	[sflag:s15] =	ssyncadd.s32 $0xFFFFC000  }
0x44: {  	[spmem:s3] =	stream.indirect.scatter.add.f32 [tilespmem:s14], [sflag:$0x2], $0x80, s13, s13, $0xb8;
	[tilespmem:$0x17D00] =	vst v63  }
0x45: {  	_ =	swait.ge [sflag:s12], $0x4000  }
0x46: {  	s16 =	sadd.s32 $0x1, s16;
	[sflag:s12] =	ssyncset.done $0x0  }
0x47: {  	p0 =	sne.s32 s16, s8;
	[sflag:s12] =	ssyncadd.s32 $0xFFFFC000  }
.Ltmp1:
0x48: {  	[bflag:$0x0] =	sbarrier.arrive $0xFFFF;
	(pc) =	sbr.rel @p0 .LBB2_1-.Ltmp1, $4  }
0x49: {  	[hbm:s7], [sflag:s6] =	dma.local [spmem:s11], $0x2780  }
0x4a: {  	_ =	swait.ge [sflag:s12], $0x2780  }
0x4b: {  	[sflag:s12] =	ssyncset.done $0x0  }
0x4c: {  	[sflag:s12] =	ssyncadd.s32 $0xFFFFD880  }
0x4d: {  	_ =	sfence.sel $0x180000  }
0x4e: {  	[bflag:$0x0] =	sbarrier.arrive $0xFFFF  }
0x4f: {  	p0 =	sne.s32 s2, $0x0;
	_ =	strace $0x90000047  }
0x50: {  	s0 =	sadd.s32 @!p0 $0x100000, s1;
	[bflag:$0x2] =	sbarrier.arrive $0xFFFF  }
0x51: {  	[sflag:s0] =	ssyncadd.tile.s32 @!p0 $0x1;
	_ =	shalt  }
.Lfunc_end2:
_tile_overlayer_lowered:
.L_overlay_start_2:
0x52: {  	(tag) =	ssettag $0x2  }
0x53: {  	s0 =	rddreg [dreg:$0x0];
	s2 =	stileid.u32  }
0x54: {  	s1 =	rddreg [dreg:$0x1];
	p0 =	sne.s32 s2, $0x0  }
0x55: {  	s3 =	rddreg [dreg:$0x2];
	[bflag:$0x3] =	sbarrier.arrive $0xFFFF;
	s2 =	simm.s32 @!p0 $0x1C02  }
0x56: {  	[timem:s3], [sflag:s2] =	dma.local @!p0 [hbm:s0], s1  }
0x57: {  	s0 =	simm.s32 @!p0 $0x2  }
0x58: {  	_ =	swait.ge @!p0 [sflag:s0], s1  }
0x59: {  	s1 =	ssub.s32 @!p0 $0x0, s1;
	[sflag:s0] =	ssyncset.done @!p0 $0x0  }
0x5a: {  	[sflag:s0] =	ssyncadd.s32 @!p0 s1  }
0x5b: {  	[bflag:$0x3] =	sbarrier.arrive $0xFFFF  }
0x5c: {  	_ =	shalt  }

// kernel: kernel.15.cloned.1.call-start
scs
__scs_entry_jumppad:
0x0: {  	(pc) =	sbr.rel $0x88, $3  }
0x1: {  	(tag) =	ssettag $0x0;
	lr =	simm.s32 $0x1  }
0x2: {  	[smem:$0x3F8D] =	sst lr;
	_ =	strace $0xD0000000  }
0x3: {  	_ = 	snop  }
0x4: {  	_ = 	snop  }
0x5: {  	_ = 	snop  }
0x6: {  	_ = 	snop  }
0x7: {  	_ = 	snop  }
__scs_overlays_trampoline_lowered:
0x8: {  	[smem:$0x3F9C] =	sst s0  }
0x9: {  	[smem:$0x3F9D] =	sst s1  }
0xa: {  	[smem:$0x3F9E] =	sst s2  }
0xb: {  	[smem:$0x3F9F] =	sst s3  }
0xc: {  	[smem:$0x3FA0] =	sst s4  }
0xd: {  	[smem:$0x3FA1] =	sst s5  }
0xe: {  	[smem:$0x3FA2] =	sst s6  }
0xf: {  	[smem:$0x3FA3] =	sst s7  }
0x10: {  	[smem:$0x3FA4] =	sst s8  }
0x11: {  	[smem:$0x3FA5] =	sst s9;
	s0 =	simm.s32 @!p0 $0x0  }
0x12: {  	s1 =	sld [smem:$0x3F8B];
	s0 =	simm.s32 @p0 $0x1  }
0x13: {  	[smem:$0x3FA6] =	sst s0;
	s0 =	simm.s32 @!p1 $0x0  }
0x14: {  	s2 =	sld [smem:$0x3F8A];
	s0 =	simm.s32 @p1 $0x1  }
0x15: {  	[smem:$0x3FA7] =	sst s0;
	s0 =	simm.s32 @!p2 $0x0  }
0x16: {  	s3 =	sld [smem:$0x3FDB];
	s0 =	simm.s32 @p2 $0x1  }
0x17: {  	s4 =	simm.s32 $0x1BF5;
	[smem:$0x3FA9] =	sst s0  }
0x18: {  	s0 =	sld [smem:$0x3F8C];
	_ =	swait.ge [sflag:s4], $0x0  }
0x19: {  	s7 =	sld [smem:$0x3F8D]  }
0x1a: {  	s8 =	sadd.s32 $0xFFFFE003, lr  }
0x1b: {  	s9 =	sadd.s32 $0xFFFFFEF7, lr;
	s5 =	simm.s32 $0xFFFFFFFF;
	p2 =	slt.u32 s8, $0xFFFFF086  }
0x1c: {  	p1 =	slt.u32 s9, $0xF7A;
	s5 =	simm.s32 @!p2 $0x0  }
0x1d: {  	s5 =	simm.s32 @p1 $0x1;
	p0 =	seq.s32 s7, s2  }
0x1e: {  	s7 =	smul.u32 @!p0 $0xF7A, s2;
	p2 =	seq.s32 @!p0 s5, $0x0  }
0x1f: {  	s9 =	smul.u32 $0xF7A, s1;
	s8 =	simm.s32 @!p0 $0x1BF5;
	p2 =	por !p2, p0  }
0x20: {  	[sflag:s8] =	ssyncset.s32 @!p0 $0xFFFFF086;
	s6 =	sadd.s32 @!p0 s3, s7;
	s7 =	simm.s32 @!p0 $0x108  }
0x21: {  	s3 =	sadd.s32 s3, s9;
	s6 =	sadd.s32 @!p0 $0x88, s6;
	s7 =	simm.s32 @p2 $0x1082  }
0x22: {  	[simem:s7], [sflag:s8] =	dma.local @!p0 [hbm:s6], $0xF7A  }
0x23: {  	s9 =	sor.u32 $0xD0000000, s2;
	s6 =	simm.s32 $0x108;
	_ =	swait.ge @!p0 [sflag:s8], $0x0  }
0x24: {  	s3 =	sadd.s32 $0x88, s3;
	s6 =	simm.s32 @!p1 $0x1082;
	[sflag:s4] =	ssyncset.s32 $0xFFFFF086  }
0x25: {  	[simem:s6], [sflag:s4] =	dma.local [hbm:s3], $0xF7A  }
0x26: {  	[smem:$0x3F8D] =	sst s1;
	(tag) =	ssettag s2;
	_ =	strace s9  }
0x27: {  	s1 =	sld [smem:$0x3F9D]  }
0x28: {  	s2 =	sld [smem:$0x3F9E]  }
0x29: {  	s4 =	sld [smem:$0x3FA0]  }
0x2a: {  	p0 =	seq.s32 s5, $0x0;
	s5 =	sld [smem:$0x3FA1]  }
0x2b: {  	s6 =	sld [smem:$0x3FA2]  }
0x2c: {  	s7 =	sld [smem:$0x3FA3]  }
0x2d: {  	s3 =	simm.s32 $0x108;
	s8 =	sld [smem:$0x3FA4]  }
0x2e: {  	s3 =	simm.s32 @!p0 $0x1082;
	s9 =	sld [smem:$0x3FA5]  }
0x2f: {  	lr =	sadd.s32 s0, s3;
	s0 =	sld [smem:$0x3F9C]  }
0x30: {  	s3 =	sld [smem:$0x3F9F]  }
0x31: {  	[smem:$0x3FA8] =	sst s10  }
0x32: {  	s10 =	sld [smem:$0x3FA6];
	_ =	sdelay $0x3  }
0x33: {  	p0 =	seq.s32 s10, $0x1;
	s10 =	sld [smem:$0x3FA8];
	_ =	sdelay $0x3  }
0x34: {  	[smem:$0x3FA8] =	sst s10  }
0x35: {  	s10 =	sld [smem:$0x3FA7];
	_ =	sdelay $0x3  }
0x36: {  	p1 =	seq.s32 s10, $0x1;
	s10 =	sld [smem:$0x3FA8];
	_ =	sdelay $0x3  }
0x37: {  	[smem:$0x3FA8] =	sst s10  }
0x38: {  	s10 =	sld [smem:$0x3FA9]  }
0x39: {  	_ = 	snop;
	(pc) =	sbr.ind lr, $3  }
0x3a: {  	_ = 	snop  }
0x3b: {  	_ = 	snop  }
0x3c: {  	p2 =	seq.s32 s10, $0x1;
	s10 =	sld [smem:$0x3FA8]  }
0x3d: {  	_ =	shalt  }
0x3e: {  	_ =	shalt  }
0x3f: {  	_ =	shalt  }
0x40: {  	_ =	shalt  }
0x41: {  	_ =	shalt  }
0x42: {  	_ =	shalt  }
0x43: {  	_ =	shalt  }
0x44: {  	_ =	shalt  }
0x45: {  	_ =	shalt  }
0x46: {  	_ =	shalt  }
0x47: {  	_ =	shalt  }
0x48: {  	_ =	shalt  }
0x49: {  	_ =	shalt  }
0x4a: {  	_ =	shalt  }
0x4b: {  	_ =	shalt  }
0x4c: {  	_ =	shalt  }
0x4d: {  	_ =	shalt  }
0x4e: {  	_ =	shalt  }
0x4f: {  	_ =	shalt  }
0x50: {  	_ =	shalt  }
0x51: {  	_ =	shalt  }
0x52: {  	_ =	shalt  }
0x53: {  	_ =	shalt  }
0x54: {  	_ =	shalt  }
0x55: {  	_ =	shalt  }
0x56: {  	_ =	shalt  }
0x57: {  	_ =	shalt  }
0x58: {  	_ =	shalt  }
0x59: {  	_ =	shalt  }
0x5a: {  	_ =	shalt  }
0x5b: {  	_ =	shalt  }
0x5c: {  	_ =	shalt  }
0x5d: {  	_ =	shalt  }
0x5e: {  	_ =	shalt  }
0x5f: {  	_ =	shalt  }
0x60: {  	_ =	shalt  }
0x61: {  	_ =	shalt  }
0x62: {  	_ =	shalt  }
0x63: {  	_ =	shalt  }
0x64: {  	_ =	shalt  }
0x65: {  	_ =	shalt  }
0x66: {  	_ =	shalt  }
0x67: {  	_ =	shalt  }
0x68: {  	_ =	shalt  }
0x69: {  	_ =	shalt  }
0x6a: {  	_ =	shalt  }
0x6b: {  	_ =	shalt  }
0x6c: {  	_ =	shalt  }
0x6d: {  	_ =	shalt  }
0x6e: {  	_ =	shalt  }
0x6f: {  	_ =	shalt  }
0x70: {  	_ =	shalt  }
0x71: {  	_ =	shalt  }
0x72: {  	_ =	shalt  }
0x73: {  	_ =	shalt  }
0x74: {  	_ =	shalt  }
0x75: {  	_ =	shalt  }
0x76: {  	_ =	shalt  }
0x77: {  	_ =	shalt  }
0x78: {  	_ =	shalt  }
0x79: {  	_ =	shalt  }
0x7a: {  	_ =	shalt  }
0x7b: {  	_ =	shalt  }
0x7c: {  	_ =	shalt  }
0x7d: {  	_ =	shalt  }
0x7e: {  	_ =	shalt  }
0x7f: {  	_ =	shalt  }
0x80: {  	_ =	shalt  }
0x81: {  	_ =	shalt  }
0x82: {  	_ =	shalt  }
0x83: {  	_ =	shalt  }
0x84: {  	_ =	shalt  }
0x85: {  	_ =	shalt  }
0x86: {  	_ =	shalt  }
0x87: {  	_ =	shalt  }
.Lfunc_end0:
.L_simem_size_0:
called_computation.1_lowered:
.L_overlay_start_0:
0x88: {  	s2 =	sld [smem:$0x3FD9]  }
0x89: {  	s3 =	sld [smem:$0x3FFE];
	_ =	sdelay $0x1  }
0x8a: {  	s1 =	srdreg.scid  }
0x8b: {  	s0 =	sand.u32 $0x1, s1  }
0x8c: {  	s16 =	sshll.u32 s0, $0xA;
	s2 =	sadd.s32 s3, s2  }
0x8d: {  	s2 =	sadd.s32 s2, s16  }
0x8e: {  	[smem:$0x3FB4] =	sst s2  }
0x8f: {  	_ = 	snop  }
0x90: {  	(tm) =	ssettm $0x1  }
0x91: {  	s17 =	sld [smem:$0x3FFB];
	_ =	sdelay $0x3  }
0x92: {  	_ =	strace s17  }
0x93: {  	s2 =	sld [smem:$0x3FFC];
	_ =	sdelay $0x3  }
0x94: {  	_ =	strace s2  }
0x95: {  	s2 =	sld [smem:$0x3FFD];
	_ =	sdelay $0x3  }
0x96: {  	_ =	strace s2  }
0x97: {  	_ =	strace $0x8FFFFFFF  }
0x98: {  	s18 =	sld [smem:$0x3FDB];
	_ =	sdelay $0x1  }
0x99: {  	s19 =	simm.s32 $_scs_section_size  }
0x9a: {  	s4 =	simm.s32 $_size__tile_overlayer_lowered;
	s5 =	simm.s32 $_tile_overlayer_lowered  }
0x9b: {  	s22 =	simm.s32 $0x1BFF;
	s21 =	sshll.u32 s5, $0x1;
	s2 =	sadd.s32 s19, s18  }
0x9c: {  	s6 =	simm.s32 $0x0;
	s20 =	sshll.u32 s4, $0x1;
	s4 =	sadd.s32 s21, s2  }
0x9d: {  	[timem:s6], [sflag:s22] =	dma.local [hbm:s4], s20  }
0x9e: {  	_ =	swait.ge [sflag:s22], s20  }
0x9f: {  	s3 =	ssub.s32 $0x0, s20;
	[sflag:s22] =	ssyncset.done $0x0  }
0xa0: {  	[sflag:s22] =	ssyncadd.s32 s3;
	_ =	sdelay $0x1  }
0xa1: {  	s23 =	simm.s32 $0x1B8B  }
0xa2: {  	_ =	swait.ge [sflag:s23], $0x1  }
0xa3: {  	[sflag:s23] =	ssyncset.done $0x0  }
0xa4: {  	s25 =	simm.s32 $0x1B8E;
	s24 =	sld [smem:$0x3FFE];
	[sflag:s23] =	ssyncadd.s32 $0xFFFFFFFF  }
0xa5: {  	s26 =	simm.s32 $execute0_lowered;
	[smem:$0x3FD2] =	sst s25  }
0xa6: {  	s4 =	sshll.u32 s26, $0x1;
	_ =	strace $0x80000049;
	[dreg:$0x1] =	wrdreg $0xFFFFFFFF  }
0xa7: {  	s28 =	simm.s32 $_size_execute0_lowered;
	s2 =	sadd.s32 s2, s4;
	[dreg:$0x0] =	wrdreg $0x0  }
0xa8: {  	s4 =	sshll.u32 s28, $0x1;
	[dreg:$0x2] =	wrdreg s2  }
0xa9: {  	[dreg:$0x3] =	wrdreg s4  }
0xaa: {  	[dreg:$0x4] =	wrdreg $0xC0  }
0xab: {  	_ =	task [dreg:s6], $0x5FFFF  }
0xac: {  	[dreg:$0x1] =	wrdreg $0xFFFFFFFF  }
0xad: {  	[dreg:$0x0] =	wrdreg $0x60  }
0xae: {  	[dreg:$0x2] =	wrdreg s24  }
0xaf: {  	[dreg:$0x3] =	wrdreg $0x41000  }
0xb0: {  	[dreg:$0x4] =	wrdreg $0x9  }
0xb1: {  	_ =	task.clear_ibuf [dreg:s6], $0x5FFFF;
	_ =	strace $0x90000049  }
0xb2: {  	s29 =	simm.s32 $0x9;
	_ =	strace $0x8000004B  }
0xb3: {  	_ =	swait.ge [sflag:s29], $0x1  }
0xb4: {  	[sflag:s29] =	ssyncadd.s32 $0xFFFFFFFF  }
0xb5: {  	_ =	strace $0x9000004B  }
0xb6: {  	_ =	sfence  }
0xb7: {  	s30 =	sld [smem:$0x0];
	_ =	sdelay $0x2  }
0xb8: {  	s31 =	sshll.u32 s1, $0xD;
	s1 =	sshrl.u32 s1, $0x2  }
0xb9: {  	s3 =	sand.u32 $0x4000, s31;
	s1 =	sadd.s32 s1, s30  }
0xba: {  	s0 =	sor.u32 s3, s0;
	s1 =	sshll.u32 s1, $0x11  }
0xbb: {  	s0 =	sor.u32 s1, s0  }
0xbc: {  	s0 =	sadd.s32 $0x8F2B, s0  }
0xbd: {  	[sflag:s0] =	ssyncadd.remote.s32 $0x1  }
0xbe: {  	_ =	sfence.sel $0xFFFF  }
0xbf: {  	[dreg:$0x0] =	wrdreg $0xFFFFFFFF;
	(pc) =	sbr.abs _section_cstart, $3  }
0xc0: {  	[dreg:$0x1] =	wrdreg $0xFFFFFFFF  }
0xc1: {  	_ =	task.clear_ibuf [dreg:s6], $0x2FFFF;
	_ =	strace $0x9FFFFFFF  }
0xc2: {  	(tm) =	ssettm $0x7FFFFFFF  }
0xc3: {  	_ =	shalt  }
tec
execute0_lowered:
.L_overlay_start_1:
0x0: {  	(tag) =	ssettag $0x1  }
0x1: {  	s6 =	rddreg [dreg:$0x0];
	s0 =	srdreg.scid  }
0x2: {  	s2 =	rddreg [dreg:$0x1];
	s1 =	stileid.u32  }
0x3: {  	s3 =	simm.s32 $0x0;
	s14 =	simm.s32 $0x100;
	s8 =	smul.u32 $0x2780, s1  }
0x4: {  	s15 =	simm.s32 $0x1;
	s16 =	simm.s32 $0x0;
	s29 =	smul.u32 $0x4F000, s1  }
0x5: {  	s7 =	sand.u32 $0x1, s0;
	s0 =	rddreg [dreg:$0x2];
	s11 =	smul.u32 $0x4F0, s1  }
0x6: {  	[smem:$0x7FF] =	sst s3;
	s4 =	sadd.s32 $0x1A200, s6;
	s5 =	smul.u32 $0x4F00, s7  }
0x7: {  	s31 =	sshll.u32 s1, $0x6;
	s9 =	smul.u32 $0x27800, s7;
	s30 =	ssub.s32 $0x2, s7  }
0x8: {  	_ =	strace $0x8000004A;
	s7 =	sshrl.u32 s30, $0x1;
	s10 =	sadd.s32 s5, s6  }
0x9: {  	s8 =	sadd.s32 s8, s9;
	s5 =	sadd.s32 $0x17A00, s6;
	s9 =	sshrl.u32 s29, $0x2  }
0xa: {  	s12 =	ssub.s32 s30, s7;
	s8 =	sadd.s32 s8, s6;
	s13 =	sadd.s32 s9, s2  }
0xb: {  	s6 =	sor.u32 $0x1C02, s31;
	s10 =	sadd.s32 s11, s10;
	s7 =	sadd.s32 $0x41400, s8  }
0xc: {  	s8 =	smax.u32 s12, $0x1;
	s9 =	sadd.s32 $0xDC00, s10;
	s10 =	sadd.s32 $0x3E00, s10  }
0xd: {  	s11 =	sshrl.u32 s13, $0x3;
	s12 =	simm.s32 $0x2;
	s13 =	simm.s32 $0x80  }
.LBB2_1:
0xe: {  	[spmem:s11], [sflag:s6] =	dma.local [hbm:s5], $0x2780  }
0xf: {  	_ =	swait.ge [sflag:s12], $0x2780  }
0x10: {  	[sflag:s12] =	ssyncset.done $0x0  }
0x11: {  	[sflag:s12] =	ssyncadd.s32 $0xFFFFD880  }
0x12: {  	s17 =	sadd.s32 $0x0, s10;
	[bflag:$0x0] =	sbarrier.arrive $0xFFFF  }
0x13: {  	[tilespmem:s3], [sflag:$0x2] =	stream.linear.gather [hbm4b:s17+s3], $0x80, $0x38;
	[tilespmem:$0x17D00] =	vst v63  }
0x14: {  	_ =	swait.ge [sflag:s12], $0x80  }
0x15: {  	[sflag:s12] =	ssyncset.done $0x0  }
0x16: {  	[sflag:s12] =	ssyncadd.s32 $0xFFFFFF80  }
0x17: {  	[tilespmem:s14], [sflag:$0x1] =	stream.indirect.gather [hbm4b:s4+s13], $0x80, s3, s13, $0xb8;
	[tilespmem:$0x17D00] =	vst v63  }
0x18: {  	s31 =	sadd.s32 $0x0, s9  }
0x19: {  	[tilespmem:s13], [sflag:$0x2] =	stream.linear.gather [hbm4b:s31+s3], $0x80, $0x38;
	[tilespmem:$0x17D00] =	vst v63  }
0x1a: {  	_ =	swait.ge [sflag:s12], $0x80  }
0x1b: {  	[sflag:s12] =	ssyncset.done $0x0  }
0x1c: {  	[sflag:s12] =	ssyncadd.s32 $0xFFFFFF80  }
0x1d: {  	_ =	swait.ge [sflag:s15], $0x4000  }
0x1e: {  	[sflag:s15] =	ssyncset.done $0x0  }
0x1f: {  	[sflag:s15] =	ssyncadd.s32 $0xFFFFC000  }
0x20: {  	[spmem:s2] =	stream.indirect.scatter.add.f32 [tilespmem:s14], [sflag:$0x2], $0x80, s13, s13, $0xb8;
	[tilespmem:$0x17D00] =	vst v63  }
0x21: {  	_ =	swait.ge [sflag:s12], $0x4000  }
0x22: {  	s18 =	simm.s32 $0x20;
	s17 =	simm.s32 $0x10;
	[sflag:s12] =	ssyncset.done $0x0  }
.LBB2_2:
0x23: {  	s19 =	sadd.s32 s17, s10  }
0x24: {  	[sflag:s12] =	ssyncadd.s32 $0xFFFFC000;
	s20 =	smov.u32 s18;
	s21 =	sadd.s32 $0x10, s18  }
0x25: {  	[tilespmem:s3], [sflag:$0x2] =	stream.linear.gather [hbm4b:s19+s3], $0x80, $0x38;
	[tilespmem:$0x17D00] =	vst v63  }
0x26: {  	p0 =	sne.s32 s18, $0x4E0;
	_ =	swait.ge [sflag:s12], $0x80  }
0x27: {  	[sflag:s12] =	ssyncset.done $0x0  }
0x28: {  	[sflag:s12] =	ssyncadd.s32 $0xFFFFFF80  }
0x29: {  	[tilespmem:s14], [sflag:$0x1] =	stream.indirect.gather [hbm4b:s4+s13], $0x80, s3, s13, $0xb8;
	[tilespmem:$0x17D00] =	vst v63  }
0x2a: {  	s18 =	sadd.s32 s17, s9;
	s17 =	smov.u32 s20  }
0x2b: {  	[tilespmem:s13], [sflag:$0x2] =	stream.linear.gather [hbm4b:s18+s3], $0x80, $0x38;
	[tilespmem:$0x17D00] =	vst v63  }
0x2c: {  	_ =	swait.ge [sflag:s12], $0x80  }
0x2d: {  	[sflag:s12] =	ssyncset.done $0x0  }
0x2e: {  	[sflag:s12] =	ssyncadd.s32 $0xFFFFFF80  }
0x2f: {  	_ =	swait.ge [sflag:s15], $0x4000  }
.Ltmp0:
0x30: {  	[sflag:s15] =	ssyncset.done $0x0;
	(pc) =	sbr.rel @p0 .LBB2_2-.Ltmp0, $4  }
0x31: {  	[sflag:s15] =	ssyncadd.s32 $0xFFFFC000  }
0x32: {  	[spmem:s2] =	stream.indirect.scatter.add.f32 [tilespmem:s14], [sflag:$0x2], $0x80, s13, s13, $0xb8;
	[tilespmem:$0x17D00] =	vst v63  }
0x33: {  	_ =	swait.ge [sflag:s12], $0x4000  }
0x34: {  	s18 =	smov.u32 s21;
	[sflag:s12] =	ssyncset.done $0x0  }
0x35: {  	s18 =	sadd.s32 s17, s10;
	[sflag:s12] =	ssyncadd.s32 $0xFFFFC000  }
0x36: {  	[tilespmem:s3], [sflag:$0x2] =	stream.linear.gather [hbm4b:s18+s3], $0x80, $0x38;
	[tilespmem:$0x17D00] =	vst v63  }
0x37: {  	_ =	swait.ge [sflag:s12], $0x80  }
0x38: {  	[sflag:s12] =	ssyncset.done $0x0  }
0x39: {  	[sflag:s12] =	ssyncadd.s32 $0xFFFFFF80  }
0x3a: {  	[tilespmem:s14], [sflag:$0x1] =	stream.indirect.gather [hbm4b:s4+s13], $0x80, s3, s13, $0xb8;
	[tilespmem:$0x17D00] =	vst v63  }
0x3b: {  	s31 =	sadd.s32 s17, s9  }
0x3c: {  	[tilespmem:s13], [sflag:$0x2] =	stream.linear.gather [hbm4b:s31+s3], $0x80, $0x38;
	[tilespmem:$0x17D00] =	vst v63  }
0x3d: {  	_ =	swait.ge [sflag:s12], $0x80  }
0x3e: {  	[sflag:s12] =	ssyncset.done $0x0  }
0x3f: {  	[sflag:s12] =	ssyncadd.s32 $0xFFFFFF80  }
0x40: {  	_ =	swait.ge [sflag:s15], $0x4000  }
0x41: {  	[sflag:s15] =	ssyncset.done $0x0  }
0x42: {  	[sflag:s15] =	ssyncadd.s32 $0xFFFFC000  }
0x43: {  	[spmem:s2] =	stream.indirect.scatter.add.f32 [tilespmem:s14], [sflag:$0x2], $0x80, s13, s13, $0xb8;
	[tilespmem:$0x17D00] =	vst v63  }
0x44: {  	_ =	swait.ge [sflag:s12], $0x4000  }
0x45: {  	s16 =	sadd.s32 $0x1, s16;
	[sflag:s12] =	ssyncset.done $0x0  }
0x46: {  	p0 =	sne.s32 s16, s8;
	[sflag:s12] =	ssyncadd.s32 $0xFFFFC000  }
.Ltmp1:
0x47: {  	[bflag:$0x0] =	sbarrier.arrive $0xFFFF;
	(pc) =	sbr.rel @p0 .LBB2_1-.Ltmp1, $4  }
0x48: {  	[hbm:s7], [sflag:s6] =	dma.local [spmem:s11], $0x2780  }
0x49: {  	_ =	swait.ge [sflag:s12], $0x2780  }
0x4a: {  	[sflag:s12] =	ssyncset.done $0x0  }
0x4b: {  	[sflag:s12] =	ssyncadd.s32 $0xFFFFD880  }
0x4c: {  	_ =	sfence.sel $0x180000  }
0x4d: {  	[bflag:$0x0] =	sbarrier.arrive $0xFFFF  }
0x4e: {  	p0 =	sne.s32 s1, $0x0;
	_ =	strace $0x9000004A  }
0x4f: {  	s0 =	sadd.s32 @!p0 $0x100000, s0;
	[bflag:$0x2] =	sbarrier.arrive $0xFFFF  }
0x50: {  	[sflag:s0] =	ssyncadd.tile.s32 @!p0 $0x1;
	_ =	shalt  }
.Lfunc_end2:
_tile_overlayer_lowered:
.L_overlay_start_2:
0x51: {  	(tag) =	ssettag $0x2  }
0x52: {  	s0 =	rddreg [dreg:$0x0];
	s2 =	stileid.u32  }
0x53: {  	s1 =	rddreg [dreg:$0x1];
	p0 =	sne.s32 s2, $0x0  }
0x54: {  	s3 =	rddreg [dreg:$0x2];
	[bflag:$0x3] =	sbarrier.arrive $0xFFFF;
	s2 =	simm.s32 @!p0 $0x1C02  }
0x55: {  	[timem:s3], [sflag:s2] =	dma.local @!p0 [hbm:s0], s1  }
0x56: {  	s0 =	simm.s32 @!p0 $0x2  }
0x57: {  	_ =	swait.ge @!p0 [sflag:s0], s1  }
0x58: {  	s1 =	ssub.s32 @!p0 $0x0, s1;
	[sflag:s0] =	ssyncset.done @!p0 $0x0  }
0x59: {  	[sflag:s0] =	ssyncadd.s32 @!p0 s1  }
0x5a: {  	[bflag:$0x3] =	sbarrier.arrive $0xFFFF  }
0x5b: {  	_ =	shalt  }

// kernel: kernel.18.cloned.1.call-start
scs
__scs_entry_jumppad:
0x0: {  	(pc) =	sbr.rel $0x88, $3  }
0x1: {  	(tag) =	ssettag $0x0;
	lr =	simm.s32 $0x1  }
0x2: {  	[smem:$0x3F8D] =	sst lr;
	_ =	strace $0xD0000000  }
0x3: {  	_ = 	snop  }
0x4: {  	_ = 	snop  }
0x5: {  	_ = 	snop  }
0x6: {  	_ = 	snop  }
0x7: {  	_ = 	snop  }
__scs_overlays_trampoline_lowered:
0x8: {  	[smem:$0x3F9C] =	sst s0  }
0x9: {  	[smem:$0x3F9D] =	sst s1  }
0xa: {  	[smem:$0x3F9E] =	sst s2  }
0xb: {  	[smem:$0x3F9F] =	sst s3  }
0xc: {  	[smem:$0x3FA0] =	sst s4  }
0xd: {  	[smem:$0x3FA1] =	sst s5  }
0xe: {  	[smem:$0x3FA2] =	sst s6  }
0xf: {  	[smem:$0x3FA3] =	sst s7  }
0x10: {  	[smem:$0x3FA4] =	sst s8  }
0x11: {  	[smem:$0x3FA5] =	sst s9;
	s0 =	simm.s32 @!p0 $0x0  }
0x12: {  	s1 =	sld [smem:$0x3F8B];
	s0 =	simm.s32 @p0 $0x1  }
0x13: {  	[smem:$0x3FA6] =	sst s0;
	s0 =	simm.s32 @!p1 $0x0  }
0x14: {  	s2 =	sld [smem:$0x3F8A];
	s0 =	simm.s32 @p1 $0x1  }
0x15: {  	[smem:$0x3FA7] =	sst s0;
	s0 =	simm.s32 @!p2 $0x0  }
0x16: {  	s3 =	sld [smem:$0x3FDB];
	s0 =	simm.s32 @p2 $0x1  }
0x17: {  	s4 =	simm.s32 $0x1BF5;
	[smem:$0x3FA9] =	sst s0  }
0x18: {  	s0 =	sld [smem:$0x3F8C];
	_ =	swait.ge [sflag:s4], $0x0  }
0x19: {  	s7 =	sld [smem:$0x3F8D]  }
0x1a: {  	s8 =	sadd.s32 $0xFFFFE003, lr  }
0x1b: {  	s9 =	sadd.s32 $0xFFFFFEF7, lr;
	s5 =	simm.s32 $0xFFFFFFFF;
	p2 =	slt.u32 s8, $0xFFFFF086  }
0x1c: {  	p1 =	slt.u32 s9, $0xF7A;
	s5 =	simm.s32 @!p2 $0x0  }
0x1d: {  	s5 =	simm.s32 @p1 $0x1;
	p0 =	seq.s32 s7, s2  }
0x1e: {  	s7 =	smul.u32 @!p0 $0xF7A, s2;
	p2 =	seq.s32 @!p0 s5, $0x0  }
0x1f: {  	s9 =	smul.u32 $0xF7A, s1;
	s8 =	simm.s32 @!p0 $0x1BF5;
	p2 =	por !p2, p0  }
0x20: {  	[sflag:s8] =	ssyncset.s32 @!p0 $0xFFFFF086;
	s6 =	sadd.s32 @!p0 s3, s7;
	s7 =	simm.s32 @!p0 $0x108  }
0x21: {  	s3 =	sadd.s32 s3, s9;
	s6 =	sadd.s32 @!p0 $0x88, s6;
	s7 =	simm.s32 @p2 $0x1082  }
0x22: {  	[simem:s7], [sflag:s8] =	dma.local @!p0 [hbm:s6], $0xF7A  }
0x23: {  	s9 =	sor.u32 $0xD0000000, s2;
	s6 =	simm.s32 $0x108;
	_ =	swait.ge @!p0 [sflag:s8], $0x0  }
0x24: {  	s3 =	sadd.s32 $0x88, s3;
	s6 =	simm.s32 @!p1 $0x1082;
	[sflag:s4] =	ssyncset.s32 $0xFFFFF086  }
0x25: {  	[simem:s6], [sflag:s4] =	dma.local [hbm:s3], $0xF7A  }
0x26: {  	[smem:$0x3F8D] =	sst s1;
	(tag) =	ssettag s2;
	_ =	strace s9  }
0x27: {  	s1 =	sld [smem:$0x3F9D]  }
0x28: {  	s2 =	sld [smem:$0x3F9E]  }
0x29: {  	s4 =	sld [smem:$0x3FA0]  }
0x2a: {  	p0 =	seq.s32 s5, $0x0;
	s5 =	sld [smem:$0x3FA1]  }
0x2b: {  	s6 =	sld [smem:$0x3FA2]  }
0x2c: {  	s7 =	sld [smem:$0x3FA3]  }
0x2d: {  	s3 =	simm.s32 $0x108;
	s8 =	sld [smem:$0x3FA4]  }
0x2e: {  	s3 =	simm.s32 @!p0 $0x1082;
	s9 =	sld [smem:$0x3FA5]  }
0x2f: {  	lr =	sadd.s32 s0, s3;
	s0 =	sld [smem:$0x3F9C]  }
0x30: {  	s3 =	sld [smem:$0x3F9F]  }
0x31: {  	[smem:$0x3FA8] =	sst s10  }
0x32: {  	s10 =	sld [smem:$0x3FA6];
	_ =	sdelay $0x3  }
0x33: {  	p0 =	seq.s32 s10, $0x1;
	s10 =	sld [smem:$0x3FA8];
	_ =	sdelay $0x3  }
0x34: {  	[smem:$0x3FA8] =	sst s10  }
0x35: {  	s10 =	sld [smem:$0x3FA7];
	_ =	sdelay $0x3  }
0x36: {  	p1 =	seq.s32 s10, $0x1;
	s10 =	sld [smem:$0x3FA8];
	_ =	sdelay $0x3  }
0x37: {  	[smem:$0x3FA8] =	sst s10  }
0x38: {  	s10 =	sld [smem:$0x3FA9]  }
0x39: {  	_ = 	snop;
	(pc) =	sbr.ind lr, $3  }
0x3a: {  	_ = 	snop  }
0x3b: {  	_ = 	snop  }
0x3c: {  	p2 =	seq.s32 s10, $0x1;
	s10 =	sld [smem:$0x3FA8]  }
0x3d: {  	_ =	shalt  }
0x3e: {  	_ =	shalt  }
0x3f: {  	_ =	shalt  }
0x40: {  	_ =	shalt  }
0x41: {  	_ =	shalt  }
0x42: {  	_ =	shalt  }
0x43: {  	_ =	shalt  }
0x44: {  	_ =	shalt  }
0x45: {  	_ =	shalt  }
0x46: {  	_ =	shalt  }
0x47: {  	_ =	shalt  }
0x48: {  	_ =	shalt  }
0x49: {  	_ =	shalt  }
0x4a: {  	_ =	shalt  }
0x4b: {  	_ =	shalt  }
0x4c: {  	_ =	shalt  }
0x4d: {  	_ =	shalt  }
0x4e: {  	_ =	shalt  }
0x4f: {  	_ =	shalt  }
0x50: {  	_ =	shalt  }
0x51: {  	_ =	shalt  }
0x52: {  	_ =	shalt  }
0x53: {  	_ =	shalt  }
0x54: {  	_ =	shalt  }
0x55: {  	_ =	shalt  }
0x56: {  	_ =	shalt  }
0x57: {  	_ =	shalt  }
0x58: {  	_ =	shalt  }
0x59: {  	_ =	shalt  }
0x5a: {  	_ =	shalt  }
0x5b: {  	_ =	shalt  }
0x5c: {  	_ =	shalt  }
0x5d: {  	_ =	shalt  }
0x5e: {  	_ =	shalt  }
0x5f: {  	_ =	shalt  }
0x60: {  	_ =	shalt  }
0x61: {  	_ =	shalt  }
0x62: {  	_ =	shalt  }
0x63: {  	_ =	shalt  }
0x64: {  	_ =	shalt  }
0x65: {  	_ =	shalt  }
0x66: {  	_ =	shalt  }
0x67: {  	_ =	shalt  }
0x68: {  	_ =	shalt  }
0x69: {  	_ =	shalt  }
0x6a: {  	_ =	shalt  }
0x6b: {  	_ =	shalt  }
0x6c: {  	_ =	shalt  }
0x6d: {  	_ =	shalt  }
0x6e: {  	_ =	shalt  }
0x6f: {  	_ =	shalt  }
0x70: {  	_ =	shalt  }
0x71: {  	_ =	shalt  }
0x72: {  	_ =	shalt  }
0x73: {  	_ =	shalt  }
0x74: {  	_ =	shalt  }
0x75: {  	_ =	shalt  }
0x76: {  	_ =	shalt  }
0x77: {  	_ =	shalt  }
0x78: {  	_ =	shalt  }
0x79: {  	_ =	shalt  }
0x7a: {  	_ =	shalt  }
0x7b: {  	_ =	shalt  }
0x7c: {  	_ =	shalt  }
0x7d: {  	_ =	shalt  }
0x7e: {  	_ =	shalt  }
0x7f: {  	_ =	shalt  }
0x80: {  	_ =	shalt  }
0x81: {  	_ =	shalt  }
0x82: {  	_ =	shalt  }
0x83: {  	_ =	shalt  }
0x84: {  	_ =	shalt  }
0x85: {  	_ =	shalt  }
0x86: {  	_ =	shalt  }
0x87: {  	_ =	shalt  }
.Lfunc_end0:
.L_simem_size_0:
called_computation.2_lowered:
.L_overlay_start_0:
0x88: {  	s2 =	sld [smem:$0x3FD9]  }
0x89: {  	s3 =	sld [smem:$0x3FFE];
	_ =	sdelay $0x1  }
0x8a: {  	s1 =	srdreg.scid  }
0x8b: {  	s0 =	sand.u32 $0x1, s1  }
0x8c: {  	s16 =	sshll.u32 s0, $0xA;
	s2 =	sadd.s32 s3, s2  }
0x8d: {  	s2 =	sadd.s32 s2, s16  }
0x8e: {  	[smem:$0x3FB4] =	sst s2  }
0x8f: {  	_ = 	snop  }
0x90: {  	(tm) =	ssettm $0x1  }
0x91: {  	s17 =	sld [smem:$0x3FFB];
	_ =	sdelay $0x3  }
0x92: {  	_ =	strace s17  }
0x93: {  	s2 =	sld [smem:$0x3FFC];
	_ =	sdelay $0x3  }
0x94: {  	_ =	strace s2  }
0x95: {  	s2 =	sld [smem:$0x3FFD];
	_ =	sdelay $0x3  }
0x96: {  	_ =	strace s2  }
0x97: {  	_ =	strace $0x8FFFFFFF  }
0x98: {  	s18 =	sld [smem:$0x3FDB];
	_ =	sdelay $0x1  }
0x99: {  	s19 =	simm.s32 $_scs_section_size  }
0x9a: {  	s4 =	simm.s32 $_size__tile_overlayer_lowered;
	s5 =	simm.s32 $_tile_overlayer_lowered  }
0x9b: {  	s22 =	simm.s32 $0x1BFF;
	s21 =	sshll.u32 s5, $0x1;
	s2 =	sadd.s32 s19, s18  }
0x9c: {  	s6 =	simm.s32 $0x0;
	s20 =	sshll.u32 s4, $0x1;
	s4 =	sadd.s32 s21, s2  }
0x9d: {  	[timem:s6], [sflag:s22] =	dma.local [hbm:s4], s20  }
0x9e: {  	_ =	swait.ge [sflag:s22], s20  }
0x9f: {  	s3 =	ssub.s32 $0x0, s20;
	[sflag:s22] =	ssyncset.done $0x0  }
0xa0: {  	[sflag:s22] =	ssyncadd.s32 s3;
	_ =	sdelay $0x1  }
0xa1: {  	s23 =	simm.s32 $0x1B8B  }
0xa2: {  	_ =	swait.ge [sflag:s23], $0x1  }
0xa3: {  	[sflag:s23] =	ssyncset.done $0x0  }
0xa4: {  	s25 =	simm.s32 $0x1B8E;
	s24 =	sld [smem:$0x3FFE];
	[sflag:s23] =	ssyncadd.s32 $0xFFFFFFFF  }
0xa5: {  	s26 =	simm.s32 $execute0_lowered;
	[smem:$0x3FD2] =	sst s25  }
0xa6: {  	s4 =	sshll.u32 s26, $0x1;
	_ =	strace $0x8000004C;
	[dreg:$0x1] =	wrdreg $0xFFFFFFFF  }
0xa7: {  	s28 =	simm.s32 $_size_execute0_lowered;
	s2 =	sadd.s32 s2, s4;
	[dreg:$0x0] =	wrdreg $0x0  }
0xa8: {  	s4 =	sshll.u32 s28, $0x1;
	[dreg:$0x2] =	wrdreg s2  }
0xa9: {  	[dreg:$0x3] =	wrdreg s4  }
0xaa: {  	[dreg:$0x4] =	wrdreg $0xC0  }
0xab: {  	_ =	task [dreg:s6], $0x5FFFF  }
0xac: {  	[dreg:$0x1] =	wrdreg $0xFFFFFFFF  }
0xad: {  	[dreg:$0x0] =	wrdreg $0x60  }
0xae: {  	[dreg:$0x2] =	wrdreg s24  }
0xaf: {  	[dreg:$0x3] =	wrdreg $0x41000  }
0xb0: {  	[dreg:$0x4] =	wrdreg $0x9  }
0xb1: {  	_ =	task.clear_ibuf [dreg:s6], $0x5FFFF;
	_ =	strace $0x9000004C  }
0xb2: {  	s29 =	simm.s32 $0x9;
	_ =	strace $0x8000004E  }
0xb3: {  	_ =	swait.ge [sflag:s29], $0x1  }
0xb4: {  	[sflag:s29] =	ssyncadd.s32 $0xFFFFFFFF  }
0xb5: {  	_ =	strace $0x9000004E  }
0xb6: {  	_ =	sfence  }
0xb7: {  	s30 =	sld [smem:$0x0];
	_ =	sdelay $0x2  }
0xb8: {  	s31 =	sshll.u32 s1, $0xD;
	s1 =	sshrl.u32 s1, $0x2  }
0xb9: {  	s3 =	sand.u32 $0x4000, s31;
	s1 =	sadd.s32 s1, s30  }
0xba: {  	s0 =	sor.u32 s3, s0;
	s1 =	sshll.u32 s1, $0x11  }
0xbb: {  	s0 =	sor.u32 s1, s0  }
0xbc: {  	s0 =	sadd.s32 $0x8F2B, s0  }
0xbd: {  	[sflag:s0] =	ssyncadd.remote.s32 $0x1  }
0xbe: {  	_ =	sfence.sel $0xFFFF  }
0xbf: {  	[dreg:$0x0] =	wrdreg $0xFFFFFFFF;
	(pc) =	sbr.abs _section_cstart, $3  }
0xc0: {  	[dreg:$0x1] =	wrdreg $0xFFFFFFFF  }
0xc1: {  	_ =	task.clear_ibuf [dreg:s6], $0x2FFFF;
	_ =	strace $0x9FFFFFFF  }
0xc2: {  	(tm) =	ssettm $0x7FFFFFFF  }
0xc3: {  	_ =	shalt  }
tec
execute0_lowered:
.L_overlay_start_1:
0x0: {  	(tag) =	ssettag $0x1  }
0x1: {  	s6 =	rddreg [dreg:$0x0];
	s0 =	srdreg.scid  }
0x2: {  	s2 =	rddreg [dreg:$0x1];
	s1 =	stileid.u32  }
0x3: {  	s3 =	simm.s32 $0x0;
	s14 =	simm.s32 $0x100;
	s8 =	smul.u32 $0x2780, s1  }
0x4: {  	s15 =	simm.s32 $0x1;
	s16 =	simm.s32 $0x0;
	s29 =	smul.u32 $0x4F000, s1  }
0x5: {  	s7 =	sand.u32 $0x1, s0;
	s0 =	rddreg [dreg:$0x2];
	s11 =	smul.u32 $0x4F0, s1  }
0x6: {  	[smem:$0x7FF] =	sst s3;
	s4 =	sadd.s32 $0x1A200, s6;
	s5 =	smul.u32 $0x4F00, s7  }
0x7: {  	s31 =	sshll.u32 s1, $0x6;
	s9 =	smul.u32 $0x27800, s7;
	s30 =	ssub.s32 $0x2, s7  }
0x8: {  	_ =	strace $0x8000004D;
	s7 =	sshrl.u32 s30, $0x1;
	s10 =	sadd.s32 s5, s6  }
0x9: {  	s8 =	sadd.s32 s8, s9;
	s5 =	sadd.s32 $0x17A00, s6;
	s9 =	sshrl.u32 s29, $0x2  }
0xa: {  	s12 =	ssub.s32 s30, s7;
	s8 =	sadd.s32 s8, s6;
	s13 =	sadd.s32 s9, s2  }
0xb: {  	s6 =	sor.u32 $0x1C02, s31;
	s10 =	sadd.s32 s11, s10;
	s7 =	sadd.s32 $0x41400, s8  }
0xc: {  	s8 =	smax.u32 s12, $0x1;
	s9 =	sadd.s32 $0xDC00, s10;
	s10 =	sadd.s32 $0x3E00, s10  }
0xd: {  	s11 =	sshrl.u32 s13, $0x3;
	s12 =	simm.s32 $0x2;
	s13 =	simm.s32 $0x80  }
.LBB2_1:
0xe: {  	[spmem:s11], [sflag:s6] =	dma.local [hbm:s5], $0x2780  }
0xf: {  	_ =	swait.ge [sflag:s12], $0x2780  }
0x10: {  	[sflag:s12] =	ssyncset.done $0x0  }
0x11: {  	[sflag:s12] =	ssyncadd.s32 $0xFFFFD880  }
0x12: {  	s17 =	sadd.s32 $0x0, s10;
	[bflag:$0x0] =	sbarrier.arrive $0xFFFF  }
0x13: {  	[tilespmem:s3], [sflag:$0x2] =	stream.linear.gather [hbm4b:s17+s3], $0x80, $0x38;
	[tilespmem:$0x17D00] =	vst v63  }
0x14: {  	_ =	swait.ge [sflag:s12], $0x80  }
0x15: {  	[sflag:s12] =	ssyncset.done $0x0  }
0x16: {  	[sflag:s12] =	ssyncadd.s32 $0xFFFFFF80  }
0x17: {  	[tilespmem:s14], [sflag:$0x1] =	stream.indirect.gather [hbm4b:s4+s13], $0x80, s3, s13, $0xb8;
	[tilespmem:$0x17D00] =	vst v63  }
0x18: {  	s31 =	sadd.s32 $0x0, s9  }
0x19: {  	[tilespmem:s13], [sflag:$0x2] =	stream.linear.gather [hbm4b:s31+s3], $0x80, $0x38;
	[tilespmem:$0x17D00] =	vst v63  }
0x1a: {  	_ =	swait.ge [sflag:s12], $0x80  }
0x1b: {  	[sflag:s12] =	ssyncset.done $0x0  }
0x1c: {  	[sflag:s12] =	ssyncadd.s32 $0xFFFFFF80  }
0x1d: {  	_ =	swait.ge [sflag:s15], $0x4000  }
0x1e: {  	[sflag:s15] =	ssyncset.done $0x0  }
0x1f: {  	[sflag:s15] =	ssyncadd.s32 $0xFFFFC000  }
0x20: {  	[spmem:s2] =	stream.indirect.scatter.add.f32 [tilespmem:s14], [sflag:$0x2], $0x80, s13, s13, $0xb8;
	[tilespmem:$0x17D00] =	vst v63  }
0x21: {  	_ =	swait.ge [sflag:s12], $0x4000  }
0x22: {  	s18 =	simm.s32 $0x20;
	s17 =	simm.s32 $0x10;
	[sflag:s12] =	ssyncset.done $0x0  }
.LBB2_2:
0x23: {  	s19 =	sadd.s32 s17, s10  }
0x24: {  	[sflag:s12] =	ssyncadd.s32 $0xFFFFC000;
	s20 =	smov.u32 s18;
	s21 =	sadd.s32 $0x10, s18  }
0x25: {  	[tilespmem:s3], [sflag:$0x2] =	stream.linear.gather [hbm4b:s19+s3], $0x80, $0x38;
	[tilespmem:$0x17D00] =	vst v63  }
0x26: {  	p0 =	sne.s32 s18, $0x4E0;
	_ =	swait.ge [sflag:s12], $0x80  }
0x27: {  	[sflag:s12] =	ssyncset.done $0x0  }
0x28: {  	[sflag:s12] =	ssyncadd.s32 $0xFFFFFF80  }
0x29: {  	[tilespmem:s14], [sflag:$0x1] =	stream.indirect.gather [hbm4b:s4+s13], $0x80, s3, s13, $0xb8;
	[tilespmem:$0x17D00] =	vst v63  }
0x2a: {  	s18 =	sadd.s32 s17, s9;
	s17 =	smov.u32 s20  }
0x2b: {  	[tilespmem:s13], [sflag:$0x2] =	stream.linear.gather [hbm4b:s18+s3], $0x80, $0x38;
	[tilespmem:$0x17D00] =	vst v63  }
0x2c: {  	_ =	swait.ge [sflag:s12], $0x80  }
0x2d: {  	[sflag:s12] =	ssyncset.done $0x0  }
0x2e: {  	[sflag:s12] =	ssyncadd.s32 $0xFFFFFF80  }
0x2f: {  	_ =	swait.ge [sflag:s15], $0x4000  }
.Ltmp0:
0x30: {  	[sflag:s15] =	ssyncset.done $0x0;
	(pc) =	sbr.rel @p0 .LBB2_2-.Ltmp0, $4  }
0x31: {  	[sflag:s15] =	ssyncadd.s32 $0xFFFFC000  }
0x32: {  	[spmem:s2] =	stream.indirect.scatter.add.f32 [tilespmem:s14], [sflag:$0x2], $0x80, s13, s13, $0xb8;
	[tilespmem:$0x17D00] =	vst v63  }
0x33: {  	_ =	swait.ge [sflag:s12], $0x4000  }
0x34: {  	s18 =	smov.u32 s21;
	[sflag:s12] =	ssyncset.done $0x0  }
0x35: {  	s18 =	sadd.s32 s17, s10;
	[sflag:s12] =	ssyncadd.s32 $0xFFFFC000  }
0x36: {  	[tilespmem:s3], [sflag:$0x2] =	stream.linear.gather [hbm4b:s18+s3], $0x80, $0x38;
	[tilespmem:$0x17D00] =	vst v63  }
0x37: {  	_ =	swait.ge [sflag:s12], $0x80  }
0x38: {  	[sflag:s12] =	ssyncset.done $0x0  }
0x39: {  	[sflag:s12] =	ssyncadd.s32 $0xFFFFFF80  }
0x3a: {  	[tilespmem:s14], [sflag:$0x1] =	stream.indirect.gather [hbm4b:s4+s13], $0x80, s3, s13, $0xb8;
	[tilespmem:$0x17D00] =	vst v63  }
0x3b: {  	s31 =	sadd.s32 s17, s9  }
0x3c: {  	[tilespmem:s13], [sflag:$0x2] =	stream.linear.gather [hbm4b:s31+s3], $0x80, $0x38;
	[tilespmem:$0x17D00] =	vst v63  }
0x3d: {  	_ =	swait.ge [sflag:s12], $0x80  }
0x3e: {  	[sflag:s12] =	ssyncset.done $0x0  }
0x3f: {  	[sflag:s12] =	ssyncadd.s32 $0xFFFFFF80  }
0x40: {  	_ =	swait.ge [sflag:s15], $0x4000  }
0x41: {  	[sflag:s15] =	ssyncset.done $0x0  }
0x42: {  	[sflag:s15] =	ssyncadd.s32 $0xFFFFC000  }
0x43: {  	[spmem:s2] =	stream.indirect.scatter.add.f32 [tilespmem:s14], [sflag:$0x2], $0x80, s13, s13, $0xb8;
	[tilespmem:$0x17D00] =	vst v63  }
0x44: {  	_ =	swait.ge [sflag:s12], $0x4000  }
0x45: {  	s16 =	sadd.s32 $0x1, s16;
	[sflag:s12] =	ssyncset.done $0x0  }
0x46: {  	p0 =	sne.s32 s16, s8;
	[sflag:s12] =	ssyncadd.s32 $0xFFFFC000  }
.Ltmp1:
0x47: {  	[bflag:$0x0] =	sbarrier.arrive $0xFFFF;
	(pc) =	sbr.rel @p0 .LBB2_1-.Ltmp1, $4  }
0x48: {  	[hbm:s7], [sflag:s6] =	dma.local [spmem:s11], $0x2780  }
0x49: {  	_ =	swait.ge [sflag:s12], $0x2780  }
0x4a: {  	[sflag:s12] =	ssyncset.done $0x0  }
0x4b: {  	[sflag:s12] =	ssyncadd.s32 $0xFFFFD880  }
0x4c: {  	_ =	sfence.sel $0x180000  }
0x4d: {  	[bflag:$0x0] =	sbarrier.arrive $0xFFFF  }
0x4e: {  	p0 =	sne.s32 s1, $0x0;
	_ =	strace $0x9000004D  }
0x4f: {  	s0 =	sadd.s32 @!p0 $0x100000, s0;
	[bflag:$0x2] =	sbarrier.arrive $0xFFFF  }
0x50: {  	[sflag:s0] =	ssyncadd.tile.s32 @!p0 $0x1;
	_ =	shalt  }
.Lfunc_end2:
_tile_overlayer_lowered:
.L_overlay_start_2:
0x51: {  	(tag) =	ssettag $0x2  }
0x52: {  	s0 =	rddreg [dreg:$0x0];
	s2 =	stileid.u32  }
0x53: {  	s1 =	rddreg [dreg:$0x1];
	p0 =	sne.s32 s2, $0x0  }
0x54: {  	s3 =	rddreg [dreg:$0x2];
	[bflag:$0x3] =	sbarrier.arrive $0xFFFF;
	s2 =	simm.s32 @!p0 $0x1C02  }
0x55: {  	[timem:s3], [sflag:s2] =	dma.local @!p0 [hbm:s0], s1  }
0x56: {  	s0 =	simm.s32 @!p0 $0x2  }
0x57: {  	_ =	swait.ge @!p0 [sflag:s0], s1  }
0x58: {  	s1 =	ssub.s32 @!p0 $0x0, s1;
	[sflag:s0] =	ssyncset.done @!p0 $0x0  }
0x59: {  	[sflag:s0] =	ssyncadd.s32 @!p0 s1  }
0x5a: {  	[bflag:$0x3] =	sbarrier.arrive $0xFFFF  }
0x5b: {  	_ =	shalt  }

</sc_bundles>
